<compile_context>
chip_gen: v7x
topology: tpu7x:2x2x1
jax: 0.10.2.dev20260603
libtpu: 0.0.44.dev20260713+nightly
codegen_flags: <defaults>
</compile_context>

<pallas_src>
import functools

import jax
import jax.numpy as jnp
from jax import lax
from jax.experimental import pallas as pl
from jax.experimental.pallas import tpu as pltpu
from jax.experimental.pallas import tpu_sc as plsc

_THRESHOLDS = (0.3, 0.5)
_LN2 = 0.6931471805599453
_SQRT2 = 1.4142135623730951
_NW = 32
_L = 16


def _ln(x):
    b = lax.bitcast_convert_type(x, jnp.int32)
    e = ((b >> 23) & 0xFF) - 127
    m = lax.bitcast_convert_type((b & 0x007FFFFF) | 0x3F800000, jnp.float32)
    big = m > _SQRT2
    m = jnp.where(big, m * 0.5, m)
    ef = (e + jnp.where(big, 1, 0)).astype(jnp.float32)
    s = (m - 1.0) / (m + 1.0)
    z = s * s
    p = 2.0 * s * (1.0 + z * (1.0 / 3.0 + z * (0.2 + z * (1.0 / 7.0))))
    return ef * _LN2 + p


@functools.lru_cache(maxsize=None)
def _build(n_pad, n_gt):
    per_w = n_pad // _NW
    pairs = per_w // (2 * _L)

    mesh = plsc.VectorSubcoreMesh(core_axis_name="c", subcore_axis_name="s")

    @functools.partial(
        pl.kernel,
        out_type=jax.ShapeDtypeStruct((_NW, 4, _L), jnp.float32),
        mesh=mesh,
        scratch_types=[
            pltpu.VMEM((4, per_w), jnp.float32),
            pltpu.VMEM((8, per_w), jnp.float32),
            pltpu.VMEM((5, n_gt * _L), jnp.float32),
            pltpu.VMEM((2, _L), jnp.float32),
            pltpu.VMEM((4, _L), jnp.float32),
        ],
    )
    def sc_kernel(r_hbm, p_hbm, g_hbm, wh_hbm, out_hbm,
                  rv, pv, gs, whv, accv):
        wid = lax.axis_index("s") * 2 + lax.axis_index("c")
        base = wid * per_w
        for i in range(4):
            pltpu.sync_copy(r_hbm.at[i, pl.ds(base, per_w)], rv.at[i])
        for i in range(8):
            pltpu.sync_copy(p_hbm.at[i, pl.ds(base, per_w)], pv.at[i])
        pltpu.sync_copy(g_hbm, gs)
        pltpu.sync_copy(wh_hbm, whv)

        wmax = whv[0, :]
        hmax = whv[1, :]

        def chunk_body(c, carry):
            l0a, c0a, l1a, c1a = carry
            sa = pl.ds(c * (2 * _L), _L)
            sb = pl.ds(c * (2 * _L) + _L, _L)
            boxes = [
                (rv[0, sa], rv[1, sa], rv[2, sa], rv[3, sa]),
                (rv[0, sb], rv[1, sb], rv[2, sb], rv[3, sb]),
            ]

            accs = []
            for layer in range(2):
                rareas = [(bx1 - bx0) * (by1 - by0)
                          for (bx0, by0, bx1, by1) in boxes]

                def gt_body(g, bc, _boxes=tuple(boxes), _rareas=tuple(rareas)):
                    bc = list(bc)
                    gsl = pl.ds(g * _L, _L)
                    gx0 = gs[0, gsl]
                    gy0 = gs[1, gsl]
                    gx1 = gs[2, gsl]
                    gy1 = gs[3, gsl]
                    ga = gs[4, gsl]
                    out = []
                    for k in range(2):
                        bx0, by0, bx1, by1 = _boxes[k]
                        biou, mx0, my0, mx1, my1 = bc[5 * k:5 * k + 5]
                        iw = jnp.maximum(
                            jnp.minimum(bx1, gx1) - jnp.maximum(bx0, gx0), 0.0)
                        ih = jnp.maximum(
                            jnp.minimum(by1, gy1) - jnp.maximum(by0, gy0), 0.0)
                        inter = iw * ih
                        s_ab = _rareas[k] + ga
                        iou = inter / s_ab
                        upd = iou > biou
                        out.extend([
                            jnp.where(upd, iou, biou),
                            jnp.where(upd, gx0, mx0),
                            jnp.where(upd, gy0, my0),
                            jnp.where(upd, gx1, mx1),
                            jnp.where(upd, gy1, my1),
                        ])
                    return tuple(out)

                z16 = jnp.zeros((_L,), jnp.float32)
                best = lax.fori_loop(
                    0, n_gt, gt_body, (z16,) * 10, unroll=2)

                new_boxes = []
                for k in range(2):
                    biou, mgx0, mgy0, mgx1, mgy1 = best[5 * k:5 * k + 5]
                    bx0, by0, bx1, by1 = boxes[k]
                    s = sa if k == 0 else sb
                    thr = _THRESHOLDS[layer]
                    maskb = biou > thr / (1.0 + thr)

                    dxv = pv[4 * layer + 0, s]
                    dyv = pv[4 * layer + 1, s]
                    dwv = pv[4 * layer + 2, s]
                    dhv = pv[4 * layer + 3, s]
                    w = bx1 - bx0 + 1.0
                    h = by1 - by0 + 1.0
                    cx = bx0 + 0.5 * w
                    cy = by0 + 0.5 * h
                    pcx = dxv * w + cx
                    pcy = dyv * h + cy
                    pw = jnp.exp(dwv) * w
                    ph = jnp.exp(dhv) * h
                    fx0 = pcx - 0.5 * pw
                    fy0 = pcy - 0.5 * ph
                    fx1 = pcx + 0.5 * pw
                    fy1 = pcy + 0.5 * ph

                    iw2 = jnp.maximum(
                        jnp.minimum(fx1, mgx1) - jnp.maximum(fx0, mgx0), 0.0)
                    ih2 = jnp.maximum(
                        jnp.minimum(fy1, mgy1) - jnp.maximum(fy0, mgy0), 0.0)
                    inter2 = iw2 * ih2
                    union2 = ((fx1 - fx0) * (fy1 - fy0)
                              + (mgx1 - mgx0) * (mgy1 - mgy0) - inter2)
                    loss = _ln(union2 / (inter2 + 0.1 * union2))
                    accs.append((jnp.where(maskb, loss, 0.0),
                                 jnp.where(maskb, 1.0, 0.0)))

                    new_boxes.append((
                        jnp.minimum(jnp.maximum(fx0, 0.0), wmax),
                        jnp.minimum(jnp.maximum(fy0, 0.0), hmax),
                        jnp.minimum(jnp.maximum(fx1, 0.0), wmax),
                        jnp.minimum(jnp.maximum(fy1, 0.0), hmax),
                    ))
                boxes = new_boxes

            return (l0a + accs[0][0] + accs[1][0],
                    c0a + accs[0][1] + accs[1][1],
                    l1a + accs[2][0] + accs[3][0],
                    c1a + accs[2][1] + accs[3][1])

        z = jnp.zeros((_L,), jnp.float32)
        l0, c0, l1, c1 = lax.fori_loop(0, pairs, chunk_body, (z, z, z, z))
        accv[0, :] = l0
        accv[1, :] = c0
        accv[2, :] = l1
        accv[3, :] = c1
        pltpu.sync_copy(accv, out_hbm.at[wid])

    return sc_kernel


def kernel(rois, bbox_pred, gt_box, data_width, data_height):
    n = rois.shape[0]
    n_gt = gt_box.shape[0]
    n_pad = -(-n // (_NW * 2 * _L)) * (_NW * 2 * _L)

    rois = rois.astype(jnp.float32)
    bbox_pred = bbox_pred.astype(jnp.float32)
    gt_box = gt_box.astype(jnp.float32)

    pad_box = jnp.array([-2.0, -2.0, -1.0, -1.0], jnp.float32)
    rois_p = jnp.concatenate(
        [rois, jnp.broadcast_to(pad_box, (n_pad - n, 4))], axis=0)
    bp_p = jnp.concatenate(
        [bbox_pred, jnp.zeros((2, n_pad - n, 4), jnp.float32)], axis=1)

    r_t = rois_p.T
    p_t = jnp.transpose(bp_p, (0, 2, 1)).reshape(8, n_pad)
    garea = (gt_box[:, 2] - gt_box[:, 0]) * (gt_box[:, 3] - gt_box[:, 1])
    g_rows = jnp.concatenate([gt_box.T, garea[None, :]], axis=0)
    g_t = jnp.repeat(g_rows[:, :, None], _L, axis=2).reshape(5, n_gt * _L)
    wm = jnp.asarray(data_width, jnp.float32) - 1.0
    hm = jnp.asarray(data_height, jnp.float32) - 1.0
    wh = jnp.stack([jnp.full((_L,), wm), jnp.full((_L,), hm)])

    parts = _build(n_pad, n_gt)(r_t, p_t, g_t, wh)
    sums = jnp.sum(parts, axis=(0, 2))
    losses = jnp.stack([sums[0] / jnp.maximum(sums[1], 1.0),
                        sums[2] / jnp.maximum(sums[3], 1.0)])
    cnts = jnp.stack([sums[1], sums[3]])
    return losses, cnts

# --- scband reference (transcript-rebuilt; emitter-appended) ---
"""Pipeline reference for scband-cascading-ubr-io-uloss-12266426598102 (READ-ONLY COPY).

The authoritative reference and input builder live on the scoring server;
editing this copy changes nothing except your own understanding.
"""

import jax, jax.numpy as jnp
import numpy as np

NUM_LAYER = 2
THRESHOLDS = [0.3, 0.5]


def jaccard(box_a, box_b):
    # Pairwise IoU: box_a [A,4], box_b [B,4] -> [A,B]
    max_xy = jnp.minimum(box_a[:, None, 2:], box_b[None, :, 2:])
    min_xy = jnp.maximum(box_a[:, None, :2], box_b[None, :, :2])
    inter_wh = jnp.clip(max_xy - min_xy, 0.0)
    inter = inter_wh[..., 0] * inter_wh[..., 1]
    area_a = ((box_a[:, 2] - box_a[:, 0]) * (box_a[:, 3] - box_a[:, 1]))[:, None]
    area_b = ((box_b[:, 2] - box_b[:, 0]) * (box_b[:, 3] - box_b[:, 1]))[None, :]
    union = area_a + area_b - inter
    return inter / union


def inverse_transform(rois, deltas):
    # Standard Faster-RCNN bbox_transform_inv
    widths = rois[:, 2] - rois[:, 0] + 1.0
    heights = rois[:, 3] - rois[:, 1] + 1.0
    ctr_x = rois[:, 0] + 0.5 * widths
    ctr_y = rois[:, 1] + 0.5 * heights
    dx, dy, dw, dh = deltas[:, 0], deltas[:, 1], deltas[:, 2], deltas[:, 3]
    pred_ctr_x = dx * widths + ctr_x
    pred_ctr_y = dy * heights + ctr_y
    pred_w = jnp.exp(dw) * widths
    pred_h = jnp.exp(dh) * heights
    return jnp.stack([
        pred_ctr_x - 0.5 * pred_w,
        pred_ctr_y - 0.5 * pred_h,
        pred_ctr_x + 0.5 * pred_w,
        pred_ctr_y + 0.5 * pred_h,
    ], axis=1)


def _iou_loss_masked(box_a, box_b, maskb):
    # Elementwise IoU between matched pairs; safe for unmasked rows.
    max_xy = jnp.minimum(box_a[:, 2:], box_b[:, 2:])
    min_xy = jnp.maximum(box_a[:, :2], box_b[:, :2])
    inter_wh = jnp.clip(max_xy - min_xy, 0.0)
    inter = inter_wh[:, 0] * inter_wh[:, 1]
    area_a = (box_a[:, 2] - box_a[:, 0]) * (box_a[:, 3] - box_a[:, 1])
    area_b = (box_b[:, 2] - box_b[:, 0]) * (box_b[:, 3] - box_b[:, 1])
    union = area_a + area_b - inter
    union_safe = jnp.where(maskb, union, 1.0)
    iou = jnp.where(maskb, inter / union_safe, 1.0)
    return -jnp.log(iou + 0.1)


def _calc_loss(rois, bbox_pred_i, gt_box, threshold):
    iou = jaccard(rois, gt_box)
    refined_rois = inverse_transform(rois, bbox_pred_i)
    max_iou = jnp.max(iou, axis=1)
    max_gt_idx = jnp.argmax(iou, axis=1)
    maskb = max_iou > threshold
    maskf = maskb.astype(refined_rois.dtype)
    matched_gt = jnp.take(gt_box, max_gt_idx, axis=0)
    per_loss = _iou_loss_masked(refined_rois, matched_gt, maskb)
    num_selected = jnp.sum(maskf)
    # masked mean == sub_loss.mean() over selected rois in the torch code
    sub_loss = jnp.sum(per_loss * maskf) / jnp.maximum(num_selected, 1.0)
    return sub_loss, num_selected, refined_rois


def _forward(rois, bbox_pred, gt_box, data_width, data_height):
    losses = []
    cnts = []
    w_max = jnp.asarray(data_width - 1).astype(rois.dtype)
    h_max = jnp.asarray(data_height - 1).astype(rois.dtype)
    for i in range(NUM_LAYER):
        sub_loss, num_sel, refined = _calc_loss(rois, bbox_pred[i], gt_box, THRESHOLDS[i])
        # torch clamps refined_rois.data (detached) before feeding next layer
        refined = jax.lax.stop_gradient(refined)
        refined = jnp.stack([
            jnp.clip(refined[:, 0], 0.0, w_max),
            jnp.clip(refined[:, 1], 0.0, h_max),
            jnp.clip(refined[:, 2], 0.0, w_max),
            jnp.clip(refined[:, 3], 0.0, h_max),
        ], axis=1)
        losses.append(sub_loss)
        cnts.append(num_sel)
        rois = refined
    return jnp.stack(losses), jnp.stack(cnts)


def setup_inputs(seed: int = 0):
    key = jax.random.key(seed)
    k1, k2, k3, k4, k5 = jax.random.split(key, 5)
    G, N, W, H = 128, 20000, 1024, 1024
    cx = jax.random.uniform(k1, (G,), minval=150.0, maxval=float(W) - 150.0)
    cy = jax.random.uniform(k2, (G,), minval=150.0, maxval=float(H) - 150.0)
    sz = jax.random.uniform(k3, (G, 2), minval=80.0, maxval=260.0)
    gt_box = jnp.stack([cx - sz[:, 0] / 2, cy - sz[:, 1] / 2,
                        cx + sz[:, 0] / 2, cy + sz[:, 1] / 2], axis=1)
    idx = jax.random.randint(k4, (N,), 0, G)
    base = jnp.take(gt_box, idx, axis=0)
    jitter = jax.random.normal(k5, (N, 4)) * 8.0
    rois = jnp.clip(base + jitter, 0.0, float(W - 1))
    bbox_pred = jax.random.normal(jax.random.fold_in(key, 7), (NUM_LAYER, N, 4)) * 0.05
    return {"rois": rois, "bbox_pred": bbox_pred, "gt_box": gt_box,
            "data_width": 1024, "data_height": 1024}


def reference(rois, bbox_pred, gt_box, data_width, data_height):
    return _forward(rois, bbox_pred, gt_box, data_width, data_height)

if __name__ == "__main__":
    import jax
    _d = setup_inputs()
    print(jax.jit(kernel)(*tuple(_d.values())))

</pallas_src>

<mosaic_0001>
#map = affine_map<(d0, d1) -> (0, 0)>
#map1 = affine_map<(d0, d1) -> (0, 0, 0)>
module attributes {stable_mosaic.version = 14 : i64} {
  func.func @sc_kernel(%arg0: i32, %arg1: i32, %arg2: memref<4x20480xf32, #tpu.memory_space<hbm>>, %arg3: memref<8x20480xf32, #tpu.memory_space<hbm>>, %arg4: memref<5x2048xf32, #tpu.memory_space<hbm>>, %arg5: memref<2x16xf32, #tpu.memory_space<hbm>>, %arg6: memref<32x4x16xf32, #tpu.memory_space<hbm>>, %arg7: memref<4x640xf32, #tpu.memory_space<vmem>>, %arg8: memref<8x640xf32, #tpu.memory_space<vmem>>, %arg9: memref<5x2048xf32, #tpu.memory_space<vmem>>, %arg10: memref<2x16xf32, #tpu.memory_space<vmem>>, %arg11: memref<4x16xf32, #tpu.memory_space<vmem>>) attributes {dimension_semantics = [#tpu.dimension_semantics<core_parallel>, #tpu.dimension_semantics<subcore_parallel>], iteration_bounds = array<i64: 2, 16>, scalar_prefetch = 0 : i64, scratch_operands = 5 : i64, tpu.core_type = #tpu.core_type<sc_vector_subcore>, window_params = [{transform_indices = #map}, {transform_indices = #map}, {transform_indices = #map}, {transform_indices = #map}, {transform_indices = #map1}]} {
    %mul3A = arith.constant 2 : i32
    %mul3A_0 = arith.muli %arg1, %mul3A : i32
    %add3A = arith.addi %mul3A_0, %arg0 : i32
    %mul3A_1 = arith.constant 640 : i32
    %mul3A_2 = arith.muli %add3A, %mul3A_1 : i32
    %run_scoped3A = arith.constant 0 : i32
    %run_scoped3A_3 = arith.constant 0 : i32
    "tpu.region"() ({
      %run_scoped3A_64 = tpu.sem_alloc : memref<!tpu.dma_semaphore, #tpu.memory_space<semaphore_mem>>
      %dma_start3A = arith.constant 0 : i32
      %dma_start3A_65 = tpu.memref_slice %arg7[%run_scoped3A_3, %dma_start3A] : memref<4x640xf32, #tpu.memory_space<vmem>> -> memref<1x640xf32, #tpu.memory_space<vmem>>
      %dma_start3A_66 = tpu.memref_squeeze %dma_start3A_65 : memref<1x640xf32, #tpu.memory_space<vmem>> -> memref<640xf32, #tpu.memory_space<vmem>>
      %dma_start3A_67 = tpu.memref_slice %arg2[%run_scoped3A, %mul3A_2] : memref<4x20480xf32, #tpu.memory_space<hbm>> -> memref<1x640xf32, #tpu.memory_space<hbm>>
      %dma_start3A_68 = tpu.memref_squeeze %dma_start3A_67 : memref<1x640xf32, #tpu.memory_space<hbm>> -> memref<640xf32, #tpu.memory_space<hbm>>
      %dma_start3A_69 = arith.constant 0 : i32
      %dma_start3A_70 = tpu.memref_slice %arg7[%run_scoped3A_3, %dma_start3A_69] : memref<4x640xf32, #tpu.memory_space<vmem>> -> memref<1x640xf32, #tpu.memory_space<vmem>>
      %dma_start3A_71 = tpu.memref_squeeze %dma_start3A_70 : memref<1x640xf32, #tpu.memory_space<vmem>> -> memref<640xf32, #tpu.memory_space<vmem>>
      %dma_start3A_72 = tpu.memref_slice %arg2[%run_scoped3A, %mul3A_2] : memref<4x20480xf32, #tpu.memory_space<hbm>> -> memref<1x640xf32, #tpu.memory_space<hbm>>
      %dma_start3A_73 = tpu.memref_squeeze %dma_start3A_72 : memref<1x640xf32, #tpu.memory_space<hbm>> -> memref<640xf32, #tpu.memory_space<hbm>>
      tpu.enqueue_dma source(%dma_start3A_73 : memref<640xf32, #tpu.memory_space<hbm>>) target(%dma_start3A_71 : memref<640xf32, #tpu.memory_space<vmem>>) target_semaphore(%run_scoped3A_64 : memref<!tpu.dma_semaphore, #tpu.memory_space<semaphore_mem>>)
      %dma_wait3A = arith.constant 0 : i32
      %dma_wait3A_74 = tpu.memref_slice %arg7[%run_scoped3A_3, %dma_wait3A] : memref<4x640xf32, #tpu.memory_space<vmem>> -> memref<1x640xf32, #tpu.memory_space<vmem>>
      %dma_wait3A_75 = tpu.memref_squeeze %dma_wait3A_74 : memref<1x640xf32, #tpu.memory_space<vmem>> -> memref<640xf32, #tpu.memory_space<vmem>>
      %dma_wait3A_76 = tpu.memref_slice %arg2[%run_scoped3A, %mul3A_2] : memref<4x20480xf32, #tpu.memory_space<hbm>> -> memref<1x640xf32, #tpu.memory_space<hbm>>
      %dma_wait3A_77 = tpu.memref_squeeze %dma_wait3A_76 : memref<1x640xf32, #tpu.memory_space<hbm>> -> memref<640xf32, #tpu.memory_space<hbm>>
      %dma_wait3A_78 = arith.constant 0 : i32
      %dma_wait3A_79 = tpu.memref_slice %arg7[%run_scoped3A_3, %dma_wait3A_78] : memref<4x640xf32, #tpu.memory_space<vmem>> -> memref<1x640xf32, #tpu.memory_space<vmem>>
      %dma_wait3A_80 = tpu.memref_squeeze %dma_wait3A_79 : memref<1x640xf32, #tpu.memory_space<vmem>> -> memref<640xf32, #tpu.memory_space<vmem>>
      %dma_wait3A_81 = tpu.memref_slice %arg2[%run_scoped3A, %mul3A_2] : memref<4x20480xf32, #tpu.memory_space<hbm>> -> memref<1x640xf32, #tpu.memory_space<hbm>>
      %dma_wait3A_82 = tpu.memref_squeeze %dma_wait3A_81 : memref<1x640xf32, #tpu.memory_space<hbm>> -> memref<640xf32, #tpu.memory_space<hbm>>
      tpu.wait_dma2 semaphore(%run_scoped3A_64 : memref<!tpu.dma_semaphore, #tpu.memory_space<semaphore_mem>>) src(%dma_wait3A_82 : memref<640xf32, #tpu.memory_space<hbm>>) dst(%dma_wait3A_80 : memref<640xf32, #tpu.memory_space<vmem>>)
      tpu.yield
    }) : () -> ()
    %run_scoped3A_4 = arith.constant 1 : i32
    %run_scoped3A_5 = arith.constant 1 : i32
    "tpu.region"() ({
      %run_scoped3A_64 = tpu.sem_alloc : memref<!tpu.dma_semaphore, #tpu.memory_space<semaphore_mem>>
      %dma_start3A = arith.constant 0 : i32
      %dma_start3A_65 = tpu.memref_slice %arg7[%run_scoped3A_5, %dma_start3A] : memref<4x640xf32, #tpu.memory_space<vmem>> -> memref<1x640xf32, #tpu.memory_space<vmem>>
      %dma_start3A_66 = tpu.memref_squeeze %dma_start3A_65 : memref<1x640xf32, #tpu.memory_space<vmem>> -> memref<640xf32, #tpu.memory_space<vmem>>
      %dma_start3A_67 = tpu.memref_slice %arg2[%run_scoped3A_4, %mul3A_2] : memref<4x20480xf32, #tpu.memory_space<hbm>> -> memref<1x640xf32, #tpu.memory_space<hbm>>
      %dma_start3A_68 = tpu.memref_squeeze %dma_start3A_67 : memref<1x640xf32, #tpu.memory_space<hbm>> -> memref<640xf32, #tpu.memory_space<hbm>>
      %dma_start3A_69 = arith.constant 0 : i32
      %dma_start3A_70 = tpu.memref_slice %arg7[%run_scoped3A_5, %dma_start3A_69] : memref<4x640xf32, #tpu.memory_space<vmem>> -> memref<1x640xf32, #tpu.memory_space<vmem>>
      %dma_start3A_71 = tpu.memref_squeeze %dma_start3A_70 : memref<1x640xf32, #tpu.memory_space<vmem>> -> memref<640xf32, #tpu.memory_space<vmem>>
      %dma_start3A_72 = tpu.memref_slice %arg2[%run_scoped3A_4, %mul3A_2] : memref<4x20480xf32, #tpu.memory_space<hbm>> -> memref<1x640xf32, #tpu.memory_space<hbm>>
      %dma_start3A_73 = tpu.memref_squeeze %dma_start3A_72 : memref<1x640xf32, #tpu.memory_space<hbm>> -> memref<640xf32, #tpu.memory_space<hbm>>
      tpu.enqueue_dma source(%dma_start3A_73 : memref<640xf32, #tpu.memory_space<hbm>>) target(%dma_start3A_71 : memref<640xf32, #tpu.memory_space<vmem>>) target_semaphore(%run_scoped3A_64 : memref<!tpu.dma_semaphore, #tpu.memory_space<semaphore_mem>>)
      %dma_wait3A = arith.constant 0 : i32
      %dma_wait3A_74 = tpu.memref_slice %arg7[%run_scoped3A_5, %dma_wait3A] : memref<4x640xf32, #tpu.memory_space<vmem>> -> memref<1x640xf32, #tpu.memory_space<vmem>>
      %dma_wait3A_75 = tpu.memref_squeeze %dma_wait3A_74 : memref<1x640xf32, #tpu.memory_space<vmem>> -> memref<640xf32, #tpu.memory_space<vmem>>
      %dma_wait3A_76 = tpu.memref_slice %arg2[%run_scoped3A_4, %mul3A_2] : memref<4x20480xf32, #tpu.memory_space<hbm>> -> memref<1x640xf32, #tpu.memory_space<hbm>>
      %dma_wait3A_77 = tpu.memref_squeeze %dma_wait3A_76 : memref<1x640xf32, #tpu.memory_space<hbm>> -> memref<640xf32, #tpu.memory_space<hbm>>
      %dma_wait3A_78 = arith.constant 0 : i32
      %dma_wait3A_79 = tpu.memref_slice %arg7[%run_scoped3A_5, %dma_wait3A_78] : memref<4x640xf32, #tpu.memory_space<vmem>> -> memref<1x640xf32, #tpu.memory_space<vmem>>
      %dma_wait3A_80 = tpu.memref_squeeze %dma_wait3A_79 : memref<1x640xf32, #tpu.memory_space<vmem>> -> memref<640xf32, #tpu.memory_space<vmem>>
      %dma_wait3A_81 = tpu.memref_slice %arg2[%run_scoped3A_4, %mul3A_2] : memref<4x20480xf32, #tpu.memory_space<hbm>> -> memref<1x640xf32, #tpu.memory_space<hbm>>
      %dma_wait3A_82 = tpu.memref_squeeze %dma_wait3A_81 : memref<1x640xf32, #tpu.memory_space<hbm>> -> memref<640xf32, #tpu.memory_space<hbm>>
      tpu.wait_dma2 semaphore(%run_scoped3A_64 : memref<!tpu.dma_semaphore, #tpu.memory_space<semaphore_mem>>) src(%dma_wait3A_82 : memref<640xf32, #tpu.memory_space<hbm>>) dst(%dma_wait3A_80 : memref<640xf32, #tpu.memory_space<vmem>>)
      tpu.yield
    }) : () -> ()
    %run_scoped3A_6 = arith.constant 2 : i32
    %run_scoped3A_7 = arith.constant 2 : i32
    "tpu.region"() ({
      %run_scoped3A_64 = tpu.sem_alloc : memref<!tpu.dma_semaphore, #tpu.memory_space<semaphore_mem>>
      %dma_start3A = arith.constant 0 : i32
      %dma_start3A_65 = tpu.memref_slice %arg7[%run_scoped3A_7, %dma_start3A] : memref<4x640xf32, #tpu.memory_space<vmem>> -> memref<1x640xf32, #tpu.memory_space<vmem>>
      %dma_start3A_66 = tpu.memref_squeeze %dma_start3A_65 : memref<1x640xf32, #tpu.memory_space<vmem>> -> memref<640xf32, #tpu.memory_space<vmem>>
      %dma_start3A_67 = tpu.memref_slice %arg2[%run_scoped3A_6, %mul3A_2] : memref<4x20480xf32, #tpu.memory_space<hbm>> -> memref<1x640xf32, #tpu.memory_space<hbm>>
      %dma_start3A_68 = tpu.memref_squeeze %dma_start3A_67 : memref<1x640xf32, #tpu.memory_space<hbm>> -> memref<640xf32, #tpu.memory_space<hbm>>
      %dma_start3A_69 = arith.constant 0 : i32
      %dma_start3A_70 = tpu.memref_slice %arg7[%run_scoped3A_7, %dma_start3A_69] : memref<4x640xf32, #tpu.memory_space<vmem>> -> memref<1x640xf32, #tpu.memory_space<vmem>>
      %dma_start3A_71 = tpu.memref_squeeze %dma_start3A_70 : memref<1x640xf32, #tpu.memory_space<vmem>> -> memref<640xf32, #tpu.memory_space<vmem>>
      %dma_start3A_72 = tpu.memref_slice %arg2[%run_scoped3A_6, %mul3A_2] : memref<4x20480xf32, #tpu.memory_space<hbm>> -> memref<1x640xf32, #tpu.memory_space<hbm>>
      %dma_start3A_73 = tpu.memref_squeeze %dma_start3A_72 : memref<1x640xf32, #tpu.memory_space<hbm>> -> memref<640xf32, #tpu.memory_space<hbm>>
      tpu.enqueue_dma source(%dma_start3A_73 : memref<640xf32, #tpu.memory_space<hbm>>) target(%dma_start3A_71 : memref<640xf32, #tpu.memory_space<vmem>>) target_semaphore(%run_scoped3A_64 : memref<!tpu.dma_semaphore, #tpu.memory_space<semaphore_mem>>)
      %dma_wait3A = arith.constant 0 : i32
      %dma_wait3A_74 = tpu.memref_slice %arg7[%run_scoped3A_7, %dma_wait3A] : memref<4x640xf32, #tpu.memory_space<vmem>> -> memref<1x640xf32, #tpu.memory_space<vmem>>
      %dma_wait3A_75 = tpu.memref_squeeze %dma_wait3A_74 : memref<1x640xf32, #tpu.memory_space<vmem>> -> memref<640xf32, #tpu.memory_space<vmem>>
      %dma_wait3A_76 = tpu.memref_slice %arg2[%run_scoped3A_6, %mul3A_2] : memref<4x20480xf32, #tpu.memory_space<hbm>> -> memref<1x640xf32, #tpu.memory_space<hbm>>
      %dma_wait3A_77 = tpu.memref_squeeze %dma_wait3A_76 : memref<1x640xf32, #tpu.memory_space<hbm>> -> memref<640xf32, #tpu.memory_space<hbm>>
      %dma_wait3A_78 = arith.constant 0 : i32
      %dma_wait3A_79 = tpu.memref_slice %arg7[%run_scoped3A_7, %dma_wait3A_78] : memref<4x640xf32, #tpu.memory_space<vmem>> -> memref<1x640xf32, #tpu.memory_space<vmem>>
      %dma_wait3A_80 = tpu.memref_squeeze %dma_wait3A_79 : memref<1x640xf32, #tpu.memory_space<vmem>> -> memref<640xf32, #tpu.memory_space<vmem>>
      %dma_wait3A_81 = tpu.memref_slice %arg2[%run_scoped3A_6, %mul3A_2] : memref<4x20480xf32, #tpu.memory_space<hbm>> -> memref<1x640xf32, #tpu.memory_space<hbm>>
      %dma_wait3A_82 = tpu.memref_squeeze %dma_wait3A_81 : memref<1x640xf32, #tpu.memory_space<hbm>> -> memref<640xf32, #tpu.memory_space<hbm>>
      tpu.wait_dma2 semaphore(%run_scoped3A_64 : memref<!tpu.dma_semaphore, #tpu.memory_space<semaphore_mem>>) src(%dma_wait3A_82 : memref<640xf32, #tpu.memory_space<hbm>>) dst(%dma_wait3A_80 : memref<640xf32, #tpu.memory_space<vmem>>)
      tpu.yield
    }) : () -> ()
    %run_scoped3A_8 = arith.constant 3 : i32
    %run_scoped3A_9 = arith.constant 3 : i32
    "tpu.region"() ({
      %run_scoped3A_64 = tpu.sem_alloc : memref<!tpu.dma_semaphore, #tpu.memory_space<semaphore_mem>>
      %dma_start3A = arith.constant 0 : i32
      %dma_start3A_65 = tpu.memref_slice %arg7[%run_scoped3A_9, %dma_start3A] : memref<4x640xf32, #tpu.memory_space<vmem>> -> memref<1x640xf32, #tpu.memory_space<vmem>>
      %dma_start3A_66 = tpu.memref_squeeze %dma_start3A_65 : memref<1x640xf32, #tpu.memory_space<vmem>> -> memref<640xf32, #tpu.memory_space<vmem>>
      %dma_start3A_67 = tpu.memref_slice %arg2[%run_scoped3A_8, %mul3A_2] : memref<4x20480xf32, #tpu.memory_space<hbm>> -> memref<1x640xf32, #tpu.memory_space<hbm>>
      %dma_start3A_68 = tpu.memref_squeeze %dma_start3A_67 : memref<1x640xf32, #tpu.memory_space<hbm>> -> memref<640xf32, #tpu.memory_space<hbm>>
      %dma_start3A_69 = arith.constant 0 : i32
      %dma_start3A_70 = tpu.memref_slice %arg7[%run_scoped3A_9, %dma_start3A_69] : memref<4x640xf32, #tpu.memory_space<vmem>> -> memref<1x640xf32, #tpu.memory_space<vmem>>
      %dma_start3A_71 = tpu.memref_squeeze %dma_start3A_70 : memref<1x640xf32, #tpu.memory_space<vmem>> -> memref<640xf32, #tpu.memory_space<vmem>>
      %dma_start3A_72 = tpu.memref_slice %arg2[%run_scoped3A_8, %mul3A_2] : memref<4x20480xf32, #tpu.memory_space<hbm>> -> memref<1x640xf32, #tpu.memory_space<hbm>>
      %dma_start3A_73 = tpu.memref_squeeze %dma_start3A_72 : memref<1x640xf32, #tpu.memory_space<hbm>> -> memref<640xf32, #tpu.memory_space<hbm>>
      tpu.enqueue_dma source(%dma_start3A_73 : memref<640xf32, #tpu.memory_space<hbm>>) target(%dma_start3A_71 : memref<640xf32, #tpu.memory_space<vmem>>) target_semaphore(%run_scoped3A_64 : memref<!tpu.dma_semaphore, #tpu.memory_space<semaphore_mem>>)
      %dma_wait3A = arith.constant 0 : i32
      %dma_wait3A_74 = tpu.memref_slice %arg7[%run_scoped3A_9, %dma_wait3A] : memref<4x640xf32, #tpu.memory_space<vmem>> -> memref<1x640xf32, #tpu.memory_space<vmem>>
      %dma_wait3A_75 = tpu.memref_squeeze %dma_wait3A_74 : memref<1x640xf32, #tpu.memory_space<vmem>> -> memref<640xf32, #tpu.memory_space<vmem>>
      %dma_wait3A_76 = tpu.memref_slice %arg2[%run_scoped3A_8, %mul3A_2] : memref<4x20480xf32, #tpu.memory_space<hbm>> -> memref<1x640xf32, #tpu.memory_space<hbm>>
      %dma_wait3A_77 = tpu.memref_squeeze %dma_wait3A_76 : memref<1x640xf32, #tpu.memory_space<hbm>> -> memref<640xf32, #tpu.memory_space<hbm>>
      %dma_wait3A_78 = arith.constant 0 : i32
      %dma_wait3A_79 = tpu.memref_slice %arg7[%run_scoped3A_9, %dma_wait3A_78] : memref<4x640xf32, #tpu.memory_space<vmem>> -> memref<1x640xf32, #tpu.memory_space<vmem>>
      %dma_wait3A_80 = tpu.memref_squeeze %dma_wait3A_79 : memref<1x640xf32, #tpu.memory_space<vmem>> -> memref<640xf32, #tpu.memory_space<vmem>>
      %dma_wait3A_81 = tpu.memref_slice %arg2[%run_scoped3A_8, %mul3A_2] : memref<4x20480xf32, #tpu.memory_space<hbm>> -> memref<1x640xf32, #tpu.memory_space<hbm>>
      %dma_wait3A_82 = tpu.memref_squeeze %dma_wait3A_81 : memref<1x640xf32, #tpu.memory_space<hbm>> -> memref<640xf32, #tpu.memory_space<hbm>>
      tpu.wait_dma2 semaphore(%run_scoped3A_64 : memref<!tpu.dma_semaphore, #tpu.memory_space<semaphore_mem>>) src(%dma_wait3A_82 : memref<640xf32, #tpu.memory_space<hbm>>) dst(%dma_wait3A_80 : memref<640xf32, #tpu.memory_space<vmem>>)
      tpu.yield
    }) : () -> ()
    %run_scoped3A_10 = arith.constant 0 : i32
    %run_scoped3A_11 = arith.constant 0 : i32
    "tpu.region"() ({
      %run_scoped3A_64 = tpu.sem_alloc : memref<!tpu.dma_semaphore, #tpu.memory_space<semaphore_mem>>
      %dma_start3A = arith.constant 0 : i32
      %dma_start3A_65 = tpu.memref_slice %arg8[%run_scoped3A_11, %dma_start3A] : memref<8x640xf32, #tpu.memory_space<vmem>> -> memref<1x640xf32, #tpu.memory_space<vmem>>
      %dma_start3A_66 = tpu.memref_squeeze %dma_start3A_65 : memref<1x640xf32, #tpu.memory_space<vmem>> -> memref<640xf32, #tpu.memory_space<vmem>>
      %dma_start3A_67 = tpu.memref_slice %arg3[%run_scoped3A_10, %mul3A_2] : memref<8x20480xf32, #tpu.memory_space<hbm>> -> memref<1x640xf32, #tpu.memory_space<hbm>>
      %dma_start3A_68 = tpu.memref_squeeze %dma_start3A_67 : memref<1x640xf32, #tpu.memory_space<hbm>> -> memref<640xf32, #tpu.memory_space<hbm>>
      %dma_start3A_69 = arith.constant 0 : i32
      %dma_start3A_70 = tpu.memref_slice %arg8[%run_scoped3A_11, %dma_start3A_69] : memref<8x640xf32, #tpu.memory_space<vmem>> -> memref<1x640xf32, #tpu.memory_space<vmem>>
      %dma_start3A_71 = tpu.memref_squeeze %dma_start3A_70 : memref<1x640xf32, #tpu.memory_space<vmem>> -> memref<640xf32, #tpu.memory_space<vmem>>
      %dma_start3A_72 = tpu.memref_slice %arg3[%run_scoped3A_10, %mul3A_2] : memref<8x20480xf32, #tpu.memory_space<hbm>> -> memref<1x640xf32, #tpu.memory_space<hbm>>
      %dma_start3A_73 = tpu.memref_squeeze %dma_start3A_72 : memref<1x640xf32, #tpu.memory_space<hbm>> -> memref<640xf32, #tpu.memory_space<hbm>>
      tpu.enqueue_dma source(%dma_start3A_73 : memref<640xf32, #tpu.memory_space<hbm>>) target(%dma_start3A_71 : memref<640xf32, #tpu.memory_space<vmem>>) target_semaphore(%run_scoped3A_64 : memref<!tpu.dma_semaphore, #tpu.memory_space<semaphore_mem>>)
      %dma_wait3A = arith.constant 0 : i32
      %dma_wait3A_74 = tpu.memref_slice %arg8[%run_scoped3A_11, %dma_wait3A] : memref<8x640xf32, #tpu.memory_space<vmem>> -> memref<1x640xf32, #tpu.memory_space<vmem>>
      %dma_wait3A_75 = tpu.memref_squeeze %dma_wait3A_74 : memref<1x640xf32, #tpu.memory_space<vmem>> -> memref<640xf32, #tpu.memory_space<vmem>>
      %dma_wait3A_76 = tpu.memref_slice %arg3[%run_scoped3A_10, %mul3A_2] : memref<8x20480xf32, #tpu.memory_space<hbm>> -> memref<1x640xf32, #tpu.memory_space<hbm>>
      %dma_wait3A_77 = tpu.memref_squeeze %dma_wait3A_76 : memref<1x640xf32, #tpu.memory_space<hbm>> -> memref<640xf32, #tpu.memory_space<hbm>>
      %dma_wait3A_78 = arith.constant 0 : i32
      %dma_wait3A_79 = tpu.memref_slice %arg8[%run_scoped3A_11, %dma_wait3A_78] : memref<8x640xf32, #tpu.memory_space<vmem>> -> memref<1x640xf32, #tpu.memory_space<vmem>>
      %dma_wait3A_80 = tpu.memref_squeeze %dma_wait3A_79 : memref<1x640xf32, #tpu.memory_space<vmem>> -> memref<640xf32, #tpu.memory_space<vmem>>
      %dma_wait3A_81 = tpu.memref_slice %arg3[%run_scoped3A_10, %mul3A_2] : memref<8x20480xf32, #tpu.memory_space<hbm>> -> memref<1x640xf32, #tpu.memory_space<hbm>>
      %dma_wait3A_82 = tpu.memref_squeeze %dma_wait3A_81 : memref<1x640xf32, #tpu.memory_space<hbm>> -> memref<640xf32, #tpu.memory_space<hbm>>
      tpu.wait_dma2 semaphore(%run_scoped3A_64 : memref<!tpu.dma_semaphore, #tpu.memory_space<semaphore_mem>>) src(%dma_wait3A_82 : memref<640xf32, #tpu.memory_space<hbm>>) dst(%dma_wait3A_80 : memref<640xf32, #tpu.memory_space<vmem>>)
      tpu.yield
    }) : () -> ()
    %run_scoped3A_12 = arith.constant 1 : i32
    %run_scoped3A_13 = arith.constant 1 : i32
    "tpu.region"() ({
      %run_scoped3A_64 = tpu.sem_alloc : memref<!tpu.dma_semaphore, #tpu.memory_space<semaphore_mem>>
      %dma_start3A = arith.constant 0 : i32
      %dma_start3A_65 = tpu.memref_slice %arg8[%run_scoped3A_13, %dma_start3A] : memref<8x640xf32, #tpu.memory_space<vmem>> -> memref<1x640xf32, #tpu.memory_space<vmem>>
      %dma_start3A_66 = tpu.memref_squeeze %dma_start3A_65 : memref<1x640xf32, #tpu.memory_space<vmem>> -> memref<640xf32, #tpu.memory_space<vmem>>
      %dma_start3A_67 = tpu.memref_slice %arg3[%run_scoped3A_12, %mul3A_2] : memref<8x20480xf32, #tpu.memory_space<hbm>> -> memref<1x640xf32, #tpu.memory_space<hbm>>
      %dma_start3A_68 = tpu.memref_squeeze %dma_start3A_67 : memref<1x640xf32, #tpu.memory_space<hbm>> -> memref<640xf32, #tpu.memory_space<hbm>>
      %dma_start3A_69 = arith.constant 0 : i32
      %dma_start3A_70 = tpu.memref_slice %arg8[%run_scoped3A_13, %dma_start3A_69] : memref<8x640xf32, #tpu.memory_space<vmem>> -> memref<1x640xf32, #tpu.memory_space<vmem>>
      %dma_start3A_71 = tpu.memref_squeeze %dma_start3A_70 : memref<1x640xf32, #tpu.memory_space<vmem>> -> memref<640xf32, #tpu.memory_space<vmem>>
      %dma_start3A_72 = tpu.memref_slice %arg3[%run_scoped3A_12, %mul3A_2] : memref<8x20480xf32, #tpu.memory_space<hbm>> -> memref<1x640xf32, #tpu.memory_space<hbm>>
      %dma_start3A_73 = tpu.memref_squeeze %dma_start3A_72 : memref<1x640xf32, #tpu.memory_space<hbm>> -> memref<640xf32, #tpu.memory_space<hbm>>
      tpu.enqueue_dma source(%dma_start3A_73 : memref<640xf32, #tpu.memory_space<hbm>>) target(%dma_start3A_71 : memref<640xf32, #tpu.memory_space<vmem>>) target_semaphore(%run_scoped3A_64 : memref<!tpu.dma_semaphore, #tpu.memory_space<semaphore_mem>>)
      %dma_wait3A = arith.constant 0 : i32
      %dma_wait3A_74 = tpu.memref_slice %arg8[%run_scoped3A_13, %dma_wait3A] : memref<8x640xf32, #tpu.memory_space<vmem>> -> memref<1x640xf32, #tpu.memory_space<vmem>>
      %dma_wait3A_75 = tpu.memref_squeeze %dma_wait3A_74 : memref<1x640xf32, #tpu.memory_space<vmem>> -> memref<640xf32, #tpu.memory_space<vmem>>
      %dma_wait3A_76 = tpu.memref_slice %arg3[%run_scoped3A_12, %mul3A_2] : memref<8x20480xf32, #tpu.memory_space<hbm>> -> memref<1x640xf32, #tpu.memory_space<hbm>>
      %dma_wait3A_77 = tpu.memref_squeeze %dma_wait3A_76 : memref<1x640xf32, #tpu.memory_space<hbm>> -> memref<640xf32, #tpu.memory_space<hbm>>
      %dma_wait3A_78 = arith.constant 0 : i32
      %dma_wait3A_79 = tpu.memref_slice %arg8[%run_scoped3A_13, %dma_wait3A_78] : memref<8x640xf32, #tpu.memory_space<vmem>> -> memref<1x640xf32, #tpu.memory_space<vmem>>
      %dma_wait3A_80 = tpu.memref_squeeze %dma_wait3A_79 : memref<1x640xf32, #tpu.memory_space<vmem>> -> memref<640xf32, #tpu.memory_space<vmem>>
      %dma_wait3A_81 = tpu.memref_slice %arg3[%run_scoped3A_12, %mul3A_2] : memref<8x20480xf32, #tpu.memory_space<hbm>> -> memref<1x640xf32, #tpu.memory_space<hbm>>
      %dma_wait3A_82 = tpu.memref_squeeze %dma_wait3A_81 : memref<1x640xf32, #tpu.memory_space<hbm>> -> memref<640xf32, #tpu.memory_space<hbm>>
      tpu.wait_dma2 semaphore(%run_scoped3A_64 : memref<!tpu.dma_semaphore, #tpu.memory_space<semaphore_mem>>) src(%dma_wait3A_82 : memref<640xf32, #tpu.memory_space<hbm>>) dst(%dma_wait3A_80 : memref<640xf32, #tpu.memory_space<vmem>>)
      tpu.yield
    }) : () -> ()
    %run_scoped3A_14 = arith.constant 2 : i32
    %run_scoped3A_15 = arith.constant 2 : i32
    "tpu.region"() ({
      %run_scoped3A_64 = tpu.sem_alloc : memref<!tpu.dma_semaphore, #tpu.memory_space<semaphore_mem>>
      %dma_start3A = arith.constant 0 : i32
      %dma_start3A_65 = tpu.memref_slice %arg8[%run_scoped3A_15, %dma_start3A] : memref<8x640xf32, #tpu.memory_space<vmem>> -> memref<1x640xf32, #tpu.memory_space<vmem>>
      %dma_start3A_66 = tpu.memref_squeeze %dma_start3A_65 : memref<1x640xf32, #tpu.memory_space<vmem>> -> memref<640xf32, #tpu.memory_space<vmem>>
      %dma_start3A_67 = tpu.memref_slice %arg3[%run_scoped3A_14, %mul3A_2] : memref<8x20480xf32, #tpu.memory_space<hbm>> -> memref<1x640xf32, #tpu.memory_space<hbm>>
      %dma_start3A_68 = tpu.memref_squeeze %dma_start3A_67 : memref<1x640xf32, #tpu.memory_space<hbm>> -> memref<640xf32, #tpu.memory_space<hbm>>
      %dma_start3A_69 = arith.constant 0 : i32
      %dma_start3A_70 = tpu.memref_slice %arg8[%run_scoped3A_15, %dma_start3A_69] : memref<8x640xf32, #tpu.memory_space<vmem>> -> memref<1x640xf32, #tpu.memory_space<vmem>>
      %dma_start3A_71 = tpu.memref_squeeze %dma_start3A_70 : memref<1x640xf32, #tpu.memory_space<vmem>> -> memref<640xf32, #tpu.memory_space<vmem>>
      %dma_start3A_72 = tpu.memref_slice %arg3[%run_scoped3A_14, %mul3A_2] : memref<8x20480xf32, #tpu.memory_space<hbm>> -> memref<1x640xf32, #tpu.memory_space<hbm>>
      %dma_start3A_73 = tpu.memref_squeeze %dma_start3A_72 : memref<1x640xf32, #tpu.memory_space<hbm>> -> memref<640xf32, #tpu.memory_space<hbm>>
      tpu.enqueue_dma source(%dma_start3A_73 : memref<640xf32, #tpu.memory_space<hbm>>) target(%dma_start3A_71 : memref<640xf32, #tpu.memory_space<vmem>>) target_semaphore(%run_scoped3A_64 : memref<!tpu.dma_semaphore, #tpu.memory_space<semaphore_mem>>)
      %dma_wait3A = arith.constant 0 : i32
      %dma_wait3A_74 = tpu.memref_slice %arg8[%run_scoped3A_15, %dma_wait3A] : memref<8x640xf32, #tpu.memory_space<vmem>> -> memref<1x640xf32, #tpu.memory_space<vmem>>
      %dma_wait3A_75 = tpu.memref_squeeze %dma_wait3A_74 : memref<1x640xf32, #tpu.memory_space<vmem>> -> memref<640xf32, #tpu.memory_space<vmem>>
      %dma_wait3A_76 = tpu.memref_slice %arg3[%run_scoped3A_14, %mul3A_2] : memref<8x20480xf32, #tpu.memory_space<hbm>> -> memref<1x640xf32, #tpu.memory_space<hbm>>
      %dma_wait3A_77 = tpu.memref_squeeze %dma_wait3A_76 : memref<1x640xf32, #tpu.memory_space<hbm>> -> memref<640xf32, #tpu.memory_space<hbm>>
      %dma_wait3A_78 = arith.constant 0 : i32
      %dma_wait3A_79 = tpu.memref_slice %arg8[%run_scoped3A_15, %dma_wait3A_78] : memref<8x640xf32, #tpu.memory_space<vmem>> -> memref<1x640xf32, #tpu.memory_space<vmem>>
      %dma_wait3A_80 = tpu.memref_squeeze %dma_wait3A_79 : memref<1x640xf32, #tpu.memory_space<vmem>> -> memref<640xf32, #tpu.memory_space<vmem>>
      %dma_wait3A_81 = tpu.memref_slice %arg3[%run_scoped3A_14, %mul3A_2] : memref<8x20480xf32, #tpu.memory_space<hbm>> -> memref<1x640xf32, #tpu.memory_space<hbm>>
      %dma_wait3A_82 = tpu.memref_squeeze %dma_wait3A_81 : memref<1x640xf32, #tpu.memory_space<hbm>> -> memref<640xf32, #tpu.memory_space<hbm>>
      tpu.wait_dma2 semaphore(%run_scoped3A_64 : memref<!tpu.dma_semaphore, #tpu.memory_space<semaphore_mem>>) src(%dma_wait3A_82 : memref<640xf32, #tpu.memory_space<hbm>>) dst(%dma_wait3A_80 : memref<640xf32, #tpu.memory_space<vmem>>)
      tpu.yield
    }) : () -> ()
    %run_scoped3A_16 = arith.constant 3 : i32
    %run_scoped3A_17 = arith.constant 3 : i32
    "tpu.region"() ({
      %run_scoped3A_64 = tpu.sem_alloc : memref<!tpu.dma_semaphore, #tpu.memory_space<semaphore_mem>>
      %dma_start3A = arith.constant 0 : i32
      %dma_start3A_65 = tpu.memref_slice %arg8[%run_scoped3A_17, %dma_start3A] : memref<8x640xf32, #tpu.memory_space<vmem>> -> memref<1x640xf32, #tpu.memory_space<vmem>>
      %dma_start3A_66 = tpu.memref_squeeze %dma_start3A_65 : memref<1x640xf32, #tpu.memory_space<vmem>> -> memref<640xf32, #tpu.memory_space<vmem>>
      %dma_start3A_67 = tpu.memref_slice %arg3[%run_scoped3A_16, %mul3A_2] : memref<8x20480xf32, #tpu.memory_space<hbm>> -> memref<1x640xf32, #tpu.memory_space<hbm>>
      %dma_start3A_68 = tpu.memref_squeeze %dma_start3A_67 : memref<1x640xf32, #tpu.memory_space<hbm>> -> memref<640xf32, #tpu.memory_space<hbm>>
      %dma_start3A_69 = arith.constant 0 : i32
      %dma_start3A_70 = tpu.memref_slice %arg8[%run_scoped3A_17, %dma_start3A_69] : memref<8x640xf32, #tpu.memory_space<vmem>> -> memref<1x640xf32, #tpu.memory_space<vmem>>
      %dma_start3A_71 = tpu.memref_squeeze %dma_start3A_70 : memref<1x640xf32, #tpu.memory_space<vmem>> -> memref<640xf32, #tpu.memory_space<vmem>>
      %dma_start3A_72 = tpu.memref_slice %arg3[%run_scoped3A_16, %mul3A_2] : memref<8x20480xf32, #tpu.memory_space<hbm>> -> memref<1x640xf32, #tpu.memory_space<hbm>>
      %dma_start3A_73 = tpu.memref_squeeze %dma_start3A_72 : memref<1x640xf32, #tpu.memory_space<hbm>> -> memref<640xf32, #tpu.memory_space<hbm>>
      tpu.enqueue_dma source(%dma_start3A_73 : memref<640xf32, #tpu.memory_space<hbm>>) target(%dma_start3A_71 : memref<640xf32, #tpu.memory_space<vmem>>) target_semaphore(%run_scoped3A_64 : memref<!tpu.dma_semaphore, #tpu.memory_space<semaphore_mem>>)
      %dma_wait3A = arith.constant 0 : i32
      %dma_wait3A_74 = tpu.memref_slice %arg8[%run_scoped3A_17, %dma_wait3A] : memref<8x640xf32, #tpu.memory_space<vmem>> -> memref<1x640xf32, #tpu.memory_space<vmem>>
      %dma_wait3A_75 = tpu.memref_squeeze %dma_wait3A_74 : memref<1x640xf32, #tpu.memory_space<vmem>> -> memref<640xf32, #tpu.memory_space<vmem>>
      %dma_wait3A_76 = tpu.memref_slice %arg3[%run_scoped3A_16, %mul3A_2] : memref<8x20480xf32, #tpu.memory_space<hbm>> -> memref<1x640xf32, #tpu.memory_space<hbm>>
      %dma_wait3A_77 = tpu.memref_squeeze %dma_wait3A_76 : memref<1x640xf32, #tpu.memory_space<hbm>> -> memref<640xf32, #tpu.memory_space<hbm>>
      %dma_wait3A_78 = arith.constant 0 : i32
      %dma_wait3A_79 = tpu.memref_slice %arg8[%run_scoped3A_17, %dma_wait3A_78] : memref<8x640xf32, #tpu.memory_space<vmem>> -> memref<1x640xf32, #tpu.memory_space<vmem>>
      %dma_wait3A_80 = tpu.memref_squeeze %dma_wait3A_79 : memref<1x640xf32, #tpu.memory_space<vmem>> -> memref<640xf32, #tpu.memory_space<vmem>>
      %dma_wait3A_81 = tpu.memref_slice %arg3[%run_scoped3A_16, %mul3A_2] : memref<8x20480xf32, #tpu.memory_space<hbm>> -> memref<1x640xf32, #tpu.memory_space<hbm>>
      %dma_wait3A_82 = tpu.memref_squeeze %dma_wait3A_81 : memref<1x640xf32, #tpu.memory_space<hbm>> -> memref<640xf32, #tpu.memory_space<hbm>>
      tpu.wait_dma2 semaphore(%run_scoped3A_64 : memref<!tpu.dma_semaphore, #tpu.memory_space<semaphore_mem>>) src(%dma_wait3A_82 : memref<640xf32, #tpu.memory_space<hbm>>) dst(%dma_wait3A_80 : memref<640xf32, #tpu.memory_space<vmem>>)
      tpu.yield
    }) : () -> ()
    %run_scoped3A_18 = arith.constant 4 : i32
    %run_scoped3A_19 = arith.constant 4 : i32
    "tpu.region"() ({
      %run_scoped3A_64 = tpu.sem_alloc : memref<!tpu.dma_semaphore, #tpu.memory_space<semaphore_mem>>
      %dma_start3A = arith.constant 0 : i32
      %dma_start3A_65 = tpu.memref_slice %arg8[%run_scoped3A_19, %dma_start3A] : memref<8x640xf32, #tpu.memory_space<vmem>> -> memref<1x640xf32, #tpu.memory_space<vmem>>
      %dma_start3A_66 = tpu.memref_squeeze %dma_start3A_65 : memref<1x640xf32, #tpu.memory_space<vmem>> -> memref<640xf32, #tpu.memory_space<vmem>>
      %dma_start3A_67 = tpu.memref_slice %arg3[%run_scoped3A_18, %mul3A_2] : memref<8x20480xf32, #tpu.memory_space<hbm>> -> memref<1x640xf32, #tpu.memory_space<hbm>>
      %dma_start3A_68 = tpu.memref_squeeze %dma_start3A_67 : memref<1x640xf32, #tpu.memory_space<hbm>> -> memref<640xf32, #tpu.memory_space<hbm>>
      %dma_start3A_69 = arith.constant 0 : i32
      %dma_start3A_70 = tpu.memref_slice %arg8[%run_scoped3A_19, %dma_start3A_69] : memref<8x640xf32, #tpu.memory_space<vmem>> -> memref<1x640xf32, #tpu.memory_space<vmem>>
      %dma_start3A_71 = tpu.memref_squeeze %dma_start3A_70 : memref<1x640xf32, #tpu.memory_space<vmem>> -> memref<640xf32, #tpu.memory_space<vmem>>
      %dma_start3A_72 = tpu.memref_slice %arg3[%run_scoped3A_18, %mul3A_2] : memref<8x20480xf32, #tpu.memory_space<hbm>> -> memref<1x640xf32, #tpu.memory_space<hbm>>
      %dma_start3A_73 = tpu.memref_squeeze %dma_start3A_72 : memref<1x640xf32, #tpu.memory_space<hbm>> -> memref<640xf32, #tpu.memory_space<hbm>>
      tpu.enqueue_dma source(%dma_start3A_73 : memref<640xf32, #tpu.memory_space<hbm>>) target(%dma_start3A_71 : memref<640xf32, #tpu.memory_space<vmem>>) target_semaphore(%run_scoped3A_64 : memref<!tpu.dma_semaphore, #tpu.memory_space<semaphore_mem>>)
      %dma_wait3A = arith.constant 0 : i32
      %dma_wait3A_74 = tpu.memref_slice %arg8[%run_scoped3A_19, %dma_wait3A] : memref<8x640xf32, #tpu.memory_space<vmem>> -> memref<1x640xf32, #tpu.memory_space<vmem>>
      %dma_wait3A_75 = tpu.memref_squeeze %dma_wait3A_74 : memref<1x640xf32, #tpu.memory_space<vmem>> -> memref<640xf32, #tpu.memory_space<vmem>>
      %dma_wait3A_76 = tpu.memref_slice %arg3[%run_scoped3A_18, %mul3A_2] : memref<8x20480xf32, #tpu.memory_space<hbm>> -> memref<1x640xf32, #tpu.memory_space<hbm>>
      %dma_wait3A_77 = tpu.memref_squeeze %dma_wait3A_76 : memref<1x640xf32, #tpu.memory_space<hbm>> -> memref<640xf32, #tpu.memory_space<hbm>>
      %dma_wait3A_78 = arith.constant 0 : i32
      %dma_wait3A_79 = tpu.memref_slice %arg8[%run_scoped3A_19, %dma_wait3A_78] : memref<8x640xf32, #tpu.memory_space<vmem>> -> memref<1x640xf32, #tpu.memory_space<vmem>>
      %dma_wait3A_80 = tpu.memref_squeeze %dma_wait3A_79 : memref<1x640xf32, #tpu.memory_space<vmem>> -> memref<640xf32, #tpu.memory_space<vmem>>
      %dma_wait3A_81 = tpu.memref_slice %arg3[%run_scoped3A_18, %mul3A_2] : memref<8x20480xf32, #tpu.memory_space<hbm>> -> memref<1x640xf32, #tpu.memory_space<hbm>>
      %dma_wait3A_82 = tpu.memref_squeeze %dma_wait3A_81 : memref<1x640xf32, #tpu.memory_space<hbm>> -> memref<640xf32, #tpu.memory_space<hbm>>
      tpu.wait_dma2 semaphore(%run_scoped3A_64 : memref<!tpu.dma_semaphore, #tpu.memory_space<semaphore_mem>>) src(%dma_wait3A_82 : memref<640xf32, #tpu.memory_space<hbm>>) dst(%dma_wait3A_80 : memref<640xf32, #tpu.memory_space<vmem>>)
      tpu.yield
    }) : () -> ()
    %run_scoped3A_20 = arith.constant 5 : i32
    %run_scoped3A_21 = arith.constant 5 : i32
    "tpu.region"() ({
      %run_scoped3A_64 = tpu.sem_alloc : memref<!tpu.dma_semaphore, #tpu.memory_space<semaphore_mem>>
      %dma_start3A = arith.constant 0 : i32
      %dma_start3A_65 = tpu.memref_slice %arg8[%run_scoped3A_21, %dma_start3A] : memref<8x640xf32, #tpu.memory_space<vmem>> -> memref<1x640xf32, #tpu.memory_space<vmem>>
      %dma_start3A_66 = tpu.memref_squeeze %dma_start3A_65 : memref<1x640xf32, #tpu.memory_space<vmem>> -> memref<640xf32, #tpu.memory_space<vmem>>
      %dma_start3A_67 = tpu.memref_slice %arg3[%run_scoped3A_20, %mul3A_2] : memref<8x20480xf32, #tpu.memory_space<hbm>> -> memref<1x640xf32, #tpu.memory_space<hbm>>
      %dma_start3A_68 = tpu.memref_squeeze %dma_start3A_67 : memref<1x640xf32, #tpu.memory_space<hbm>> -> memref<640xf32, #tpu.memory_space<hbm>>
      %dma_start3A_69 = arith.constant 0 : i32
      %dma_start3A_70 = tpu.memref_slice %arg8[%run_scoped3A_21, %dma_start3A_69] : memref<8x640xf32, #tpu.memory_space<vmem>> -> memref<1x640xf32, #tpu.memory_space<vmem>>
      %dma_start3A_71 = tpu.memref_squeeze %dma_start3A_70 : memref<1x640xf32, #tpu.memory_space<vmem>> -> memref<640xf32, #tpu.memory_space<vmem>>
      %dma_start3A_72 = tpu.memref_slice %arg3[%run_scoped3A_20, %mul3A_2] : memref<8x20480xf32, #tpu.memory_space<hbm>> -> memref<1x640xf32, #tpu.memory_space<hbm>>
      %dma_start3A_73 = tpu.memref_squeeze %dma_start3A_72 : memref<1x640xf32, #tpu.memory_space<hbm>> -> memref<640xf32, #tpu.memory_space<hbm>>
      tpu.enqueue_dma source(%dma_start3A_73 : memref<640xf32, #tpu.memory_space<hbm>>) target(%dma_start3A_71 : memref<640xf32, #tpu.memory_space<vmem>>) target_semaphore(%run_scoped3A_64 : memref<!tpu.dma_semaphore, #tpu.memory_space<semaphore_mem>>)
      %dma_wait3A = arith.constant 0 : i32
      %dma_wait3A_74 = tpu.memref_slice %arg8[%run_scoped3A_21, %dma_wait3A] : memref<8x640xf32, #tpu.memory_space<vmem>> -> memref<1x640xf32, #tpu.memory_space<vmem>>
      %dma_wait3A_75 = tpu.memref_squeeze %dma_wait3A_74 : memref<1x640xf32, #tpu.memory_space<vmem>> -> memref<640xf32, #tpu.memory_space<vmem>>
      %dma_wait3A_76 = tpu.memref_slice %arg3[%run_scoped3A_20, %mul3A_2] : memref<8x20480xf32, #tpu.memory_space<hbm>> -> memref<1x640xf32, #tpu.memory_space<hbm>>
      %dma_wait3A_77 = tpu.memref_squeeze %dma_wait3A_76 : memref<1x640xf32, #tpu.memory_space<hbm>> -> memref<640xf32, #tpu.memory_space<hbm>>
      %dma_wait3A_78 = arith.constant 0 : i32
      %dma_wait3A_79 = tpu.memref_slice %arg8[%run_scoped3A_21, %dma_wait3A_78] : memref<8x640xf32, #tpu.memory_space<vmem>> -> memref<1x640xf32, #tpu.memory_space<vmem>>
      %dma_wait3A_80 = tpu.memref_squeeze %dma_wait3A_79 : memref<1x640xf32, #tpu.memory_space<vmem>> -> memref<640xf32, #tpu.memory_space<vmem>>
      %dma_wait3A_81 = tpu.memref_slice %arg3[%run_scoped3A_20, %mul3A_2] : memref<8x20480xf32, #tpu.memory_space<hbm>> -> memref<1x640xf32, #tpu.memory_space<hbm>>
      %dma_wait3A_82 = tpu.memref_squeeze %dma_wait3A_81 : memref<1x640xf32, #tpu.memory_space<hbm>> -> memref<640xf32, #tpu.memory_space<hbm>>
      tpu.wait_dma2 semaphore(%run_scoped3A_64 : memref<!tpu.dma_semaphore, #tpu.memory_space<semaphore_mem>>) src(%dma_wait3A_82 : memref<640xf32, #tpu.memory_space<hbm>>) dst(%dma_wait3A_80 : memref<640xf32, #tpu.memory_space<vmem>>)
      tpu.yield
    }) : () -> ()
    %run_scoped3A_22 = arith.constant 6 : i32
    %run_scoped3A_23 = arith.constant 6 : i32
    "tpu.region"() ({
      %run_scoped3A_64 = tpu.sem_alloc : memref<!tpu.dma_semaphore, #tpu.memory_space<semaphore_mem>>
      %dma_start3A = arith.constant 0 : i32
      %dma_start3A_65 = tpu.memref_slice %arg8[%run_scoped3A_23, %dma_start3A] : memref<8x640xf32, #tpu.memory_space<vmem>> -> memref<1x640xf32, #tpu.memory_space<vmem>>
      %dma_start3A_66 = tpu.memref_squeeze %dma_start3A_65 : memref<1x640xf32, #tpu.memory_space<vmem>> -> memref<640xf32, #tpu.memory_space<vmem>>
      %dma_start3A_67 = tpu.memref_slice %arg3[%run_scoped3A_22, %mul3A_2] : memref<8x20480xf32, #tpu.memory_space<hbm>> -> memref<1x640xf32, #tpu.memory_space<hbm>>
      %dma_start3A_68 = tpu.memref_squeeze %dma_start3A_67 : memref<1x640xf32, #tpu.memory_space<hbm>> -> memref<640xf32, #tpu.memory_space<hbm>>
      %dma_start3A_69 = arith.constant 0 : i32
      %dma_start3A_70 = tpu.memref_slice %arg8[%run_scoped3A_23, %dma_start3A_69] : memref<8x640xf32, #tpu.memory_space<vmem>> -> memref<1x640xf32, #tpu.memory_space<vmem>>
      %dma_start3A_71 = tpu.memref_squeeze %dma_start3A_70 : memref<1x640xf32, #tpu.memory_space<vmem>> -> memref<640xf32, #tpu.memory_space<vmem>>
      %dma_start3A_72 = tpu.memref_slice %arg3[%run_scoped3A_22, %mul3A_2] : memref<8x20480xf32, #tpu.memory_space<hbm>> -> memref<1x640xf32, #tpu.memory_space<hbm>>
      %dma_start3A_73 = tpu.memref_squeeze %dma_start3A_72 : memref<1x640xf32, #tpu.memory_space<hbm>> -> memref<640xf32, #tpu.memory_space<hbm>>
      tpu.enqueue_dma source(%dma_start3A_73 : memref<640xf32, #tpu.memory_space<hbm>>) target(%dma_start3A_71 : memref<640xf32, #tpu.memory_space<vmem>>) target_semaphore(%run_scoped3A_64 : memref<!tpu.dma_semaphore, #tpu.memory_space<semaphore_mem>>)
      %dma_wait3A = arith.constant 0 : i32
      %dma_wait3A_74 = tpu.memref_slice %arg8[%run_scoped3A_23, %dma_wait3A] : memref<8x640xf32, #tpu.memory_space<vmem>> -> memref<1x640xf32, #tpu.memory_space<vmem>>
      %dma_wait3A_75 = tpu.memref_squeeze %dma_wait3A_74 : memref<1x640xf32, #tpu.memory_space<vmem>> -> memref<640xf32, #tpu.memory_space<vmem>>
      %dma_wait3A_76 = tpu.memref_slice %arg3[%run_scoped3A_22, %mul3A_2] : memref<8x20480xf32, #tpu.memory_space<hbm>> -> memref<1x640xf32, #tpu.memory_space<hbm>>
      %dma_wait3A_77 = tpu.memref_squeeze %dma_wait3A_76 : memref<1x640xf32, #tpu.memory_space<hbm>> -> memref<640xf32, #tpu.memory_space<hbm>>
      %dma_wait3A_78 = arith.constant 0 : i32
      %dma_wait3A_79 = tpu.memref_slice %arg8[%run_scoped3A_23, %dma_wait3A_78] : memref<8x640xf32, #tpu.memory_space<vmem>> -> memref<1x640xf32, #tpu.memory_space<vmem>>
      %dma_wait3A_80 = tpu.memref_squeeze %dma_wait3A_79 : memref<1x640xf32, #tpu.memory_space<vmem>> -> memref<640xf32, #tpu.memory_space<vmem>>
      %dma_wait3A_81 = tpu.memref_slice %arg3[%run_scoped3A_22, %mul3A_2] : memref<8x20480xf32, #tpu.memory_space<hbm>> -> memref<1x640xf32, #tpu.memory_space<hbm>>
      %dma_wait3A_82 = tpu.memref_squeeze %dma_wait3A_81 : memref<1x640xf32, #tpu.memory_space<hbm>> -> memref<640xf32, #tpu.memory_space<hbm>>
      tpu.wait_dma2 semaphore(%run_scoped3A_64 : memref<!tpu.dma_semaphore, #tpu.memory_space<semaphore_mem>>) src(%dma_wait3A_82 : memref<640xf32, #tpu.memory_space<hbm>>) dst(%dma_wait3A_80 : memref<640xf32, #tpu.memory_space<vmem>>)
      tpu.yield
    }) : () -> ()
    %run_scoped3A_24 = arith.constant 7 : i32
    %run_scoped3A_25 = arith.constant 7 : i32
    "tpu.region"() ({
      %run_scoped3A_64 = tpu.sem_alloc : memref<!tpu.dma_semaphore, #tpu.memory_space<semaphore_mem>>
      %dma_start3A = arith.constant 0 : i32
      %dma_start3A_65 = tpu.memref_slice %arg8[%run_scoped3A_25, %dma_start3A] : memref<8x640xf32, #tpu.memory_space<vmem>> -> memref<1x640xf32, #tpu.memory_space<vmem>>
      %dma_start3A_66 = tpu.memref_squeeze %dma_start3A_65 : memref<1x640xf32, #tpu.memory_space<vmem>> -> memref<640xf32, #tpu.memory_space<vmem>>
      %dma_start3A_67 = tpu.memref_slice %arg3[%run_scoped3A_24, %mul3A_2] : memref<8x20480xf32, #tpu.memory_space<hbm>> -> memref<1x640xf32, #tpu.memory_space<hbm>>
      %dma_start3A_68 = tpu.memref_squeeze %dma_start3A_67 : memref<1x640xf32, #tpu.memory_space<hbm>> -> memref<640xf32, #tpu.memory_space<hbm>>
      %dma_start3A_69 = arith.constant 0 : i32
      %dma_start3A_70 = tpu.memref_slice %arg8[%run_scoped3A_25, %dma_start3A_69] : memref<8x640xf32, #tpu.memory_space<vmem>> -> memref<1x640xf32, #tpu.memory_space<vmem>>
      %dma_start3A_71 = tpu.memref_squeeze %dma_start3A_70 : memref<1x640xf32, #tpu.memory_space<vmem>> -> memref<640xf32, #tpu.memory_space<vmem>>
      %dma_start3A_72 = tpu.memref_slice %arg3[%run_scoped3A_24, %mul3A_2] : memref<8x20480xf32, #tpu.memory_space<hbm>> -> memref<1x640xf32, #tpu.memory_space<hbm>>
      %dma_start3A_73 = tpu.memref_squeeze %dma_start3A_72 : memref<1x640xf32, #tpu.memory_space<hbm>> -> memref<640xf32, #tpu.memory_space<hbm>>
      tpu.enqueue_dma source(%dma_start3A_73 : memref<640xf32, #tpu.memory_space<hbm>>) target(%dma_start3A_71 : memref<640xf32, #tpu.memory_space<vmem>>) target_semaphore(%run_scoped3A_64 : memref<!tpu.dma_semaphore, #tpu.memory_space<semaphore_mem>>)
      %dma_wait3A = arith.constant 0 : i32
      %dma_wait3A_74 = tpu.memref_slice %arg8[%run_scoped3A_25, %dma_wait3A] : memref<8x640xf32, #tpu.memory_space<vmem>> -> memref<1x640xf32, #tpu.memory_space<vmem>>
      %dma_wait3A_75 = tpu.memref_squeeze %dma_wait3A_74 : memref<1x640xf32, #tpu.memory_space<vmem>> -> memref<640xf32, #tpu.memory_space<vmem>>
      %dma_wait3A_76 = tpu.memref_slice %arg3[%run_scoped3A_24, %mul3A_2] : memref<8x20480xf32, #tpu.memory_space<hbm>> -> memref<1x640xf32, #tpu.memory_space<hbm>>
      %dma_wait3A_77 = tpu.memref_squeeze %dma_wait3A_76 : memref<1x640xf32, #tpu.memory_space<hbm>> -> memref<640xf32, #tpu.memory_space<hbm>>
      %dma_wait3A_78 = arith.constant 0 : i32
      %dma_wait3A_79 = tpu.memref_slice %arg8[%run_scoped3A_25, %dma_wait3A_78] : memref<8x640xf32, #tpu.memory_space<vmem>> -> memref<1x640xf32, #tpu.memory_space<vmem>>
      %dma_wait3A_80 = tpu.memref_squeeze %dma_wait3A_79 : memref<1x640xf32, #tpu.memory_space<vmem>> -> memref<640xf32, #tpu.memory_space<vmem>>
      %dma_wait3A_81 = tpu.memref_slice %arg3[%run_scoped3A_24, %mul3A_2] : memref<8x20480xf32, #tpu.memory_space<hbm>> -> memref<1x640xf32, #tpu.memory_space<hbm>>
      %dma_wait3A_82 = tpu.memref_squeeze %dma_wait3A_81 : memref<1x640xf32, #tpu.memory_space<hbm>> -> memref<640xf32, #tpu.memory_space<hbm>>
      tpu.wait_dma2 semaphore(%run_scoped3A_64 : memref<!tpu.dma_semaphore, #tpu.memory_space<semaphore_mem>>) src(%dma_wait3A_82 : memref<640xf32, #tpu.memory_space<hbm>>) dst(%dma_wait3A_80 : memref<640xf32, #tpu.memory_space<vmem>>)
      tpu.yield
    }) : () -> ()
    "tpu.region"() ({
      %run_scoped3A_64 = tpu.sem_alloc : memref<!tpu.dma_semaphore, #tpu.memory_space<semaphore_mem>>
      tpu.enqueue_dma source(%arg4 : memref<5x2048xf32, #tpu.memory_space<hbm>>) target(%arg9 : memref<5x2048xf32, #tpu.memory_space<vmem>>) target_semaphore(%run_scoped3A_64 : memref<!tpu.dma_semaphore, #tpu.memory_space<semaphore_mem>>)
      tpu.wait_dma2 semaphore(%run_scoped3A_64 : memref<!tpu.dma_semaphore, #tpu.memory_space<semaphore_mem>>) src(%arg4 : memref<5x2048xf32, #tpu.memory_space<hbm>>) dst(%arg9 : memref<5x2048xf32, #tpu.memory_space<vmem>>)
      tpu.yield
    }) : () -> ()
    "tpu.region"() ({
      %run_scoped3A_64 = tpu.sem_alloc : memref<!tpu.dma_semaphore, #tpu.memory_space<semaphore_mem>>
      tpu.enqueue_dma source(%arg5 : memref<2x16xf32, #tpu.memory_space<hbm>>) target(%arg10 : memref<2x16xf32, #tpu.memory_space<vmem>>) target_semaphore(%run_scoped3A_64 : memref<!tpu.dma_semaphore, #tpu.memory_space<semaphore_mem>>)
      tpu.wait_dma2 semaphore(%run_scoped3A_64 : memref<!tpu.dma_semaphore, #tpu.memory_space<semaphore_mem>>) src(%arg5 : memref<2x16xf32, #tpu.memory_space<hbm>>) dst(%arg10 : memref<2x16xf32, #tpu.memory_space<vmem>>)
      tpu.yield
    }) : () -> ()
    %get3A = arith.constant 0 : i32
    %get3A_26 = arith.index_cast %get3A : i32 to index
    %get3A_27 = arith.constant 0 : index
    %get3A_28 = tpu.vector_load %arg10[%get3A_26, %get3A_27] {strides = array<i32>} : memref<2x16xf32, #tpu.memory_space<vmem>>, vector<1x16xf32>,
    %get3A_29 = vector.shape_cast %get3A_28 : vector<1x16xf32> to vector<16xf32>
    %get3A_30 = arith.constant 1 : i32
    %get3A_31 = arith.index_cast %get3A_30 : i32 to index
    %get3A_32 = arith.constant 0 : index
    %get3A_33 = tpu.vector_load %arg10[%get3A_31, %get3A_32] {strides = array<i32>} : memref<2x16xf32, #tpu.memory_space<vmem>>, vector<1x16xf32>,
    %get3A_34 = vector.shape_cast %get3A_33 : vector<1x16xf32> to vector<16xf32>
    %broadcast_in_dim3A = arith.constant 0.000000e+00 : f32
    %broadcast_in_dim3A_35 = vector.broadcast %broadcast_in_dim3A : f32 to vector<16xf32>
    %scan3A = arith.constant 0 : i32
    %scan3A_36 = arith.constant 20 : i32
    %scan3A_37 = arith.addi %scan3A, %scan3A_36 : i32
    %scan3A_38 = arith.constant 1 : i32
    %scan3A_39:4 = scf.for %scan3A_64 = %scan3A to %scan3A_37 step %scan3A_38 iter_args(%scan3A_65 = %broadcast_in_dim3A_35, %scan3A_66 = %broadcast_in_dim3A_35, %scan3A_67 = %broadcast_in_dim3A_35, %scan3A_68 = %broadcast_in_dim3A_35) -> (vector<16xf32>, vector<16xf32>, vector<16xf32>, vector<16xf32>)  : i32 {
      %mul3A_69 = arith.constant 32 : i32
      %mul3A_70 = arith.muli %scan3A_64, %mul3A_69 : i32
      %mul3A_71 = arith.constant 32 : i32
      %mul3A_72 = arith.muli %scan3A_64, %mul3A_71 : i32
      %add3A_73 = arith.constant 16 : i32
      %add3A_74 = arith.addi %mul3A_72, %add3A_73 : i32
      %get3A_75 = arith.constant 0 : i32
      %get3A_76 = arith.index_cast %get3A_75 : i32 to index
      %get3A_77 = arith.index_cast %mul3A_70 : i32 to index
      %get3A_78 = tpu.vector_load %arg7[%get3A_76, %get3A_77] {strides = array<i32>} : memref<4x640xf32, #tpu.memory_space<vmem>>, vector<1x16xf32>,
      %get3A_79 = vector.shape_cast %get3A_78 : vector<1x16xf32> to vector<16xf32>
      %get3A_80 = arith.constant 1 : i32
      %get3A_81 = arith.index_cast %get3A_80 : i32 to index
      %get3A_82 = arith.index_cast %mul3A_70 : i32 to index
      %get3A_83 = tpu.vector_load %arg7[%get3A_81, %get3A_82] {strides = array<i32>} : memref<4x640xf32, #tpu.memory_space<vmem>>, vector<1x16xf32>,
      %get3A_84 = vector.shape_cast %get3A_83 : vector<1x16xf32> to vector<16xf32>
      %get3A_85 = arith.constant 2 : i32
      %get3A_86 = arith.index_cast %get3A_85 : i32 to index
      %get3A_87 = arith.index_cast %mul3A_70 : i32 to index
      %get3A_88 = tpu.vector_load %arg7[%get3A_86, %get3A_87] {strides = array<i32>} : memref<4x640xf32, #tpu.memory_space<vmem>>, vector<1x16xf32>,
      %get3A_89 = vector.shape_cast %get3A_88 : vector<1x16xf32> to vector<16xf32>
      %get3A_90 = arith.constant 3 : i32
      %get3A_91 = arith.index_cast %get3A_90 : i32 to index
      %get3A_92 = arith.index_cast %mul3A_70 : i32 to index
      %get3A_93 = tpu.vector_load %arg7[%get3A_91, %get3A_92] {strides = array<i32>} : memref<4x640xf32, #tpu.memory_space<vmem>>, vector<1x16xf32>,
      %get3A_94 = vector.shape_cast %get3A_93 : vector<1x16xf32> to vector<16xf32>
      %get3A_95 = arith.constant 0 : i32
      %get3A_96 = arith.index_cast %get3A_95 : i32 to index
      %get3A_97 = arith.index_cast %add3A_74 : i32 to index
      %get3A_98 = tpu.vector_load %arg7[%get3A_96, %get3A_97] {strides = array<i32>} : memref<4x640xf32, #tpu.memory_space<vmem>>, vector<1x16xf32>,
      %get3A_99 = vector.shape_cast %get3A_98 : vector<1x16xf32> to vector<16xf32>
      %get3A_100 = arith.constant 1 : i32
      %get3A_101 = arith.index_cast %get3A_100 : i32 to index
      %get3A_102 = arith.index_cast %add3A_74 : i32 to index
      %get3A_103 = tpu.vector_load %arg7[%get3A_101, %get3A_102] {strides = array<i32>} : memref<4x640xf32, #tpu.memory_space<vmem>>, vector<1x16xf32>,
      %get3A_104 = vector.shape_cast %get3A_103 : vector<1x16xf32> to vector<16xf32>
      %get3A_105 = arith.constant 2 : i32
      %get3A_106 = arith.index_cast %get3A_105 : i32 to index
      %get3A_107 = arith.index_cast %add3A_74 : i32 to index
      %get3A_108 = tpu.vector_load %arg7[%get3A_106, %get3A_107] {strides = array<i32>} : memref<4x640xf32, #tpu.memory_space<vmem>>, vector<1x16xf32>,
      %get3A_109 = vector.shape_cast %get3A_108 : vector<1x16xf32> to vector<16xf32>
      %get3A_110 = arith.constant 3 : i32
      %get3A_111 = arith.index_cast %get3A_110 : i32 to index
      %get3A_112 = arith.index_cast %add3A_74 : i32 to index
      %get3A_113 = tpu.vector_load %arg7[%get3A_111, %get3A_112] {strides = array<i32>} : memref<4x640xf32, #tpu.memory_space<vmem>>, vector<1x16xf32>,
      %get3A_114 = vector.shape_cast %get3A_113 : vector<1x16xf32> to vector<16xf32>
      %sub3A = arith.subf %get3A_89, %get3A_79 : vector<16xf32>
      %sub3A_115 = arith.subf %get3A_94, %get3A_84 : vector<16xf32>
      %mul3A_116 = arith.mulf %sub3A, %sub3A_115 : vector<16xf32>
      %sub3A_117 = arith.subf %get3A_109, %get3A_99 : vector<16xf32>
      %sub3A_118 = arith.subf %get3A_114, %get3A_104 : vector<16xf32>
      %mul3A_119 = arith.mulf %sub3A_117, %sub3A_118 : vector<16xf32>
      %broadcast_in_dim3A_120 = arith.constant 0.000000e+00 : f32
      %broadcast_in_dim3A_121 = vector.broadcast %broadcast_in_dim3A_120 : f32 to vector<16xf32>
      %scan3A_122 = arith.constant 0 : i32
      %scan3A_123 = arith.constant 128 : i32
      %scan3A_124 = arith.addi %scan3A_122, %scan3A_123 : i32
      %scan3A_125 = arith.constant 2 : i32
      %scan3A_126:10 = scf.for %scan3A_834 = %scan3A_122 to %scan3A_124 step %scan3A_125 iter_args(%scan3A_835 = %broadcast_in_dim3A_121, %scan3A_836 = %broadcast_in_dim3A_121, %scan3A_837 = %broadcast_in_dim3A_121, %scan3A_838 = %broadcast_in_dim3A_121, %scan3A_839 = %broadcast_in_dim3A_121, %scan3A_840 = %broadcast_in_dim3A_121, %scan3A_841 = %broadcast_in_dim3A_121, %scan3A_842 = %broadcast_in_dim3A_121, %scan3A_843 = %broadcast_in_dim3A_121, %scan3A_844 = %broadcast_in_dim3A_121) -> (vector<16xf32>, vector<16xf32>, vector<16xf32>, vector<16xf32>, vector<16xf32>, vector<16xf32>, vector<16xf32>, vector<16xf32>, vector<16xf32>, vector<16xf32>)  : i32 {
        %mul3A_845 = arith.constant 16 : i32
        %mul3A_846 = arith.muli %scan3A_834, %mul3A_845 : i32
        %get3A_847 = arith.constant 0 : i32
        %get3A_848 = arith.index_cast %get3A_847 : i32 to index
        %get3A_849 = arith.index_cast %mul3A_846 : i32 to index
        %get3A_850 = tpu.vector_load %arg9[%get3A_848, %get3A_849] {strides = array<i32>} : memref<5x2048xf32, #tpu.memory_space<vmem>>, vector<1x16xf32>,
        %get3A_851 = vector.shape_cast %get3A_850 : vector<1x16xf32> to vector<16xf32>
        %get3A_852 = arith.constant 1 : i32
        %get3A_853 = arith.index_cast %get3A_852 : i32 to index
        %get3A_854 = arith.index_cast %mul3A_846 : i32 to index
        %get3A_855 = tpu.vector_load %arg9[%get3A_853, %get3A_854] {strides = array<i32>} : memref<5x2048xf32, #tpu.memory_space<vmem>>, vector<1x16xf32>,
        %get3A_856 = vector.shape_cast %get3A_855 : vector<1x16xf32> to vector<16xf32>
        %get3A_857 = arith.constant 2 : i32
        %get3A_858 = arith.index_cast %get3A_857 : i32 to index
        %get3A_859 = arith.index_cast %mul3A_846 : i32 to index
        %get3A_860 = tpu.vector_load %arg9[%get3A_858, %get3A_859] {strides = array<i32>} : memref<5x2048xf32, #tpu.memory_space<vmem>>, vector<1x16xf32>,
        %get3A_861 = vector.shape_cast %get3A_860 : vector<1x16xf32> to vector<16xf32>
        %get3A_862 = arith.constant 3 : i32
        %get3A_863 = arith.index_cast %get3A_862 : i32 to index
        %get3A_864 = arith.index_cast %mul3A_846 : i32 to index
        %get3A_865 = tpu.vector_load %arg9[%get3A_863, %get3A_864] {strides = array<i32>} : memref<5x2048xf32, #tpu.memory_space<vmem>>, vector<1x16xf32>,
        %get3A_866 = vector.shape_cast %get3A_865 : vector<1x16xf32> to vector<16xf32>
        %get3A_867 = arith.constant 4 : i32
        %get3A_868 = arith.index_cast %get3A_867 : i32 to index
        %get3A_869 = arith.index_cast %mul3A_846 : i32 to index
        %get3A_870 = tpu.vector_load %arg9[%get3A_868, %get3A_869] {strides = array<i32>} : memref<5x2048xf32, #tpu.memory_space<vmem>>, vector<1x16xf32>,
        %get3A_871 = vector.shape_cast %get3A_870 : vector<1x16xf32> to vector<16xf32>
        %min3A_872 = arith.minimumf %get3A_89, %get3A_861 : vector<16xf32>
        %max3A_873 = arith.maximumf %get3A_79, %get3A_851 : vector<16xf32>
        %sub3A_874 = arith.subf %min3A_872, %max3A_873 : vector<16xf32>
        %max3A_875 = arith.constant 0.000000e+00 : f32
        %max3A_876 = vector.broadcast %max3A_875 : f32 to vector<16xf32>
        %max3A_877 = arith.maximumf %sub3A_874, %max3A_876 : vector<16xf32>
        %min3A_878 = arith.minimumf %get3A_94, %get3A_866 : vector<16xf32>
        %max3A_879 = arith.maximumf %get3A_84, %get3A_856 : vector<16xf32>
        %sub3A_880 = arith.subf %min3A_878, %max3A_879 : vector<16xf32>
        %max3A_881 = arith.constant 0.000000e+00 : f32
        %max3A_882 = vector.broadcast %max3A_881 : f32 to vector<16xf32>
        %max3A_883 = arith.maximumf %sub3A_880, %max3A_882 : vector<16xf32>
        %mul3A_884 = arith.mulf %max3A_877, %max3A_883 : vector<16xf32>
        %add3A_885 = arith.addf %mul3A_116, %get3A_871 : vector<16xf32>
        %div3A_886 = arith.divf %mul3A_884, %add3A_885 : vector<16xf32>
        %gt3A_887 = arith.cmpf ogt, %div3A_886, %scan3A_835 : vector<16xf32>
        %select_n3A_888 = arith.select %gt3A_887, %div3A_886, %scan3A_835 : vector<16xi1>, vector<16xf32>
        %select_n3A_889 = arith.select %gt3A_887, %get3A_851, %scan3A_836 : vector<16xi1>, vector<16xf32>
        %select_n3A_890 = arith.select %gt3A_887, %get3A_856, %scan3A_837 : vector<16xi1>, vector<16xf32>
        %select_n3A_891 = arith.select %gt3A_887, %get3A_861, %scan3A_838 : vector<16xi1>, vector<16xf32>
        %select_n3A_892 = arith.select %gt3A_887, %get3A_866, %scan3A_839 : vector<16xi1>, vector<16xf32>
        %min3A_893 = arith.minimumf %get3A_109, %get3A_861 : vector<16xf32>
        %max3A_894 = arith.maximumf %get3A_99, %get3A_851 : vector<16xf32>
        %sub3A_895 = arith.subf %min3A_893, %max3A_894 : vector<16xf32>
        %max3A_896 = arith.constant 0.000000e+00 : f32
        %max3A_897 = vector.broadcast %max3A_896 : f32 to vector<16xf32>
        %max3A_898 = arith.maximumf %sub3A_895, %max3A_897 : vector<16xf32>
        %min3A_899 = arith.minimumf %get3A_114, %get3A_866 : vector<16xf32>
        %max3A_900 = arith.maximumf %get3A_104, %get3A_856 : vector<16xf32>
        %sub3A_901 = arith.subf %min3A_899, %max3A_900 : vector<16xf32>
        %max3A_902 = arith.constant 0.000000e+00 : f32
        %max3A_903 = vector.broadcast %max3A_902 : f32 to vector<16xf32>
        %max3A_904 = arith.maximumf %sub3A_901, %max3A_903 : vector<16xf32>
        %mul3A_905 = arith.mulf %max3A_898, %max3A_904 : vector<16xf32>
        %add3A_906 = arith.addf %mul3A_119, %get3A_871 : vector<16xf32>
        %div3A_907 = arith.divf %mul3A_905, %add3A_906 : vector<16xf32>
        %gt3A_908 = arith.cmpf ogt, %div3A_907, %scan3A_840 : vector<16xf32>
        %select_n3A_909 = arith.select %gt3A_908, %div3A_907, %scan3A_840 : vector<16xi1>, vector<16xf32>
        %select_n3A_910 = arith.select %gt3A_908, %get3A_851, %scan3A_841 : vector<16xi1>, vector<16xf32>
        %select_n3A_911 = arith.select %gt3A_908, %get3A_856, %scan3A_842 : vector<16xi1>, vector<16xf32>
        %select_n3A_912 = arith.select %gt3A_908, %get3A_861, %scan3A_843 : vector<16xi1>, vector<16xf32>
        %select_n3A_913 = arith.select %gt3A_908, %get3A_866, %scan3A_844 : vector<16xi1>, vector<16xf32>
        %scan3A_914 = arith.constant 1 : i32
        %scan3A_915 = arith.addi %scan3A_834, %scan3A_914 : i32
        %mul3A_916 = arith.constant 16 : i32
        %mul3A_917 = arith.muli %scan3A_915, %mul3A_916 : i32
        %get3A_918 = arith.constant 0 : i32
        %get3A_919 = arith.index_cast %get3A_918 : i32 to index
        %get3A_920 = arith.index_cast %mul3A_917 : i32 to index
        %get3A_921 = tpu.vector_load %arg9[%get3A_919, %get3A_920] {strides = array<i32>} : memref<5x2048xf32, #tpu.memory_space<vmem>>, vector<1x16xf32>,
        %get3A_922 = vector.shape_cast %get3A_921 : vector<1x16xf32> to vector<16xf32>
        %get3A_923 = arith.constant 1 : i32
        %get3A_924 = arith.index_cast %get3A_923 : i32 to index
        %get3A_925 = arith.index_cast %mul3A_917 : i32 to index
        %get3A_926 = tpu.vector_load %arg9[%get3A_924, %get3A_925] {strides = array<i32>} : memref<5x2048xf32, #tpu.memory_space<vmem>>, vector<1x16xf32>,
        %get3A_927 = vector.shape_cast %get3A_926 : vector<1x16xf32> to vector<16xf32>
        %get3A_928 = arith.constant 2 : i32
        %get3A_929 = arith.index_cast %get3A_928 : i32 to index
        %get3A_930 = arith.index_cast %mul3A_917 : i32 to index
        %get3A_931 = tpu.vector_load %arg9[%get3A_929, %get3A_930] {strides = array<i32>} : memref<5x2048xf32, #tpu.memory_space<vmem>>, vector<1x16xf32>,
        %get3A_932 = vector.shape_cast %get3A_931 : vector<1x16xf32> to vector<16xf32>
        %get3A_933 = arith.constant 3 : i32
        %get3A_934 = arith.index_cast %get3A_933 : i32 to index
        %get3A_935 = arith.index_cast %mul3A_917 : i32 to index
        %get3A_936 = tpu.vector_load %arg9[%get3A_934, %get3A_935] {strides = array<i32>} : memref<5x2048xf32, #tpu.memory_space<vmem>>, vector<1x16xf32>,
        %get3A_937 = vector.shape_cast %get3A_936 : vector<1x16xf32> to vector<16xf32>
        %get3A_938 = arith.constant 4 : i32
        %get3A_939 = arith.index_cast %get3A_938 : i32 to index
        %get3A_940 = arith.index_cast %mul3A_917 : i32 to index
        %get3A_941 = tpu.vector_load %arg9[%get3A_939, %get3A_940] {strides = array<i32>} : memref<5x2048xf32, #tpu.memory_space<vmem>>, vector<1x16xf32>,
        %get3A_942 = vector.shape_cast %get3A_941 : vector<1x16xf32> to vector<16xf32>
        %min3A_943 = arith.minimumf %get3A_89, %get3A_932 : vector<16xf32>
        %max3A_944 = arith.maximumf %get3A_79, %get3A_922 : vector<16xf32>
        %sub3A_945 = arith.subf %min3A_943, %max3A_944 : vector<16xf32>
        %max3A_946 = arith.constant 0.000000e+00 : f32
        %max3A_947 = vector.broadcast %max3A_946 : f32 to vector<16xf32>
        %max3A_948 = arith.maximumf %sub3A_945, %max3A_947 : vector<16xf32>
        %min3A_949 = arith.minimumf %get3A_94, %get3A_937 : vector<16xf32>
        %max3A_950 = arith.maximumf %get3A_84, %get3A_927 : vector<16xf32>
        %sub3A_951 = arith.subf %min3A_949, %max3A_950 : vector<16xf32>
        %max3A_952 = arith.constant 0.000000e+00 : f32
        %max3A_953 = vector.broadcast %max3A_952 : f32 to vector<16xf32>
        %max3A_954 = arith.maximumf %sub3A_951, %max3A_953 : vector<16xf32>
        %mul3A_955 = arith.mulf %max3A_948, %max3A_954 : vector<16xf32>
        %add3A_956 = arith.addf %mul3A_116, %get3A_942 : vector<16xf32>
        %div3A_957 = arith.divf %mul3A_955, %add3A_956 : vector<16xf32>
        %gt3A_958 = arith.cmpf ogt, %div3A_957, %select_n3A_888 : vector<16xf32>
        %select_n3A_959 = arith.select %gt3A_958, %div3A_957, %select_n3A_888 : vector<16xi1>, vector<16xf32>
        %select_n3A_960 = arith.select %gt3A_958, %get3A_922, %select_n3A_889 : vector<16xi1>, vector<16xf32>
        %select_n3A_961 = arith.select %gt3A_958, %get3A_927, %select_n3A_890 : vector<16xi1>, vector<16xf32>
        %select_n3A_962 = arith.select %gt3A_958, %get3A_932, %select_n3A_891 : vector<16xi1>, vector<16xf32>
        %select_n3A_963 = arith.select %gt3A_958, %get3A_937, %select_n3A_892 : vector<16xi1>, vector<16xf32>
        %min3A_964 = arith.minimumf %get3A_109, %get3A_932 : vector<16xf32>
        %max3A_965 = arith.maximumf %get3A_99, %get3A_922 : vector<16xf32>
        %sub3A_966 = arith.subf %min3A_964, %max3A_965 : vector<16xf32>
        %max3A_967 = arith.constant 0.000000e+00 : f32
        %max3A_968 = vector.broadcast %max3A_967 : f32 to vector<16xf32>
        %max3A_969 = arith.maximumf %sub3A_966, %max3A_968 : vector<16xf32>
        %min3A_970 = arith.minimumf %get3A_114, %get3A_937 : vector<16xf32>
        %max3A_971 = arith.maximumf %get3A_104, %get3A_927 : vector<16xf32>
        %sub3A_972 = arith.subf %min3A_970, %max3A_971 : vector<16xf32>
        %max3A_973 = arith.constant 0.000000e+00 : f32
        %max3A_974 = vector.broadcast %max3A_973 : f32 to vector<16xf32>
        %max3A_975 = arith.maximumf %sub3A_972, %max3A_974 : vector<16xf32>
        %mul3A_976 = arith.mulf %max3A_969, %max3A_975 : vector<16xf32>
        %add3A_977 = arith.addf %mul3A_119, %get3A_942 : vector<16xf32>
        %div3A_978 = arith.divf %mul3A_976, %add3A_977 : vector<16xf32>
        %gt3A_979 = arith.cmpf ogt, %div3A_978, %select_n3A_909 : vector<16xf32>
        %select_n3A_980 = arith.select %gt3A_979, %div3A_978, %select_n3A_909 : vector<16xi1>, vector<16xf32>
        %select_n3A_981 = arith.select %gt3A_979, %get3A_922, %select_n3A_910 : vector<16xi1>, vector<16xf32>
        %select_n3A_982 = arith.select %gt3A_979, %get3A_927, %select_n3A_911 : vector<16xi1>, vector<16xf32>
        %select_n3A_983 = arith.select %gt3A_979, %get3A_932, %select_n3A_912 : vector<16xi1>, vector<16xf32>
        %select_n3A_984 = arith.select %gt3A_979, %get3A_937, %select_n3A_913 : vector<16xi1>, vector<16xf32>
        scf.yield %select_n3A_959, %select_n3A_960, %select_n3A_961, %select_n3A_962, %select_n3A_963, %select_n3A_980, %select_n3A_981, %select_n3A_982, %select_n3A_983, %select_n3A_984 : vector<16xf32>, vector<16xf32>, vector<16xf32>, vector<16xf32>, vector<16xf32>, vector<16xf32>, vector<16xf32>, vector<16xf32>, vector<16xf32>, vector<16xf32>
      }
      %scan3A_127 = arith.constant 128 : i32
      %gt3A = arith.constant 0.230769232 : f32
      %gt3A_128 = vector.broadcast %gt3A : f32 to vector<16xf32>
      %gt3A_129 = arith.cmpf ogt, %scan3A_126#0, %gt3A_128 : vector<16xf32>
      %get3A_130 = arith.constant 0 : i32
      %get3A_131 = arith.index_cast %get3A_130 : i32 to index
      %get3A_132 = arith.index_cast %mul3A_70 : i32 to index
      %get3A_133 = tpu.vector_load %arg8[%get3A_131, %get3A_132] {strides = array<i32>} : memref<8x640xf32, #tpu.memory_space<vmem>>, vector<1x16xf32>,
      %get3A_134 = vector.shape_cast %get3A_133 : vector<1x16xf32> to vector<16xf32>
      %get3A_135 = arith.constant 1 : i32
      %get3A_136 = arith.index_cast %get3A_135 : i32 to index
      %get3A_137 = arith.index_cast %mul3A_70 : i32 to index
      %get3A_138 = tpu.vector_load %arg8[%get3A_136, %get3A_137] {strides = array<i32>} : memref<8x640xf32, #tpu.memory_space<vmem>>, vector<1x16xf32>,
      %get3A_139 = vector.shape_cast %get3A_138 : vector<1x16xf32> to vector<16xf32>
      %get3A_140 = arith.constant 2 : i32
      %get3A_141 = arith.index_cast %get3A_140 : i32 to index
      %get3A_142 = arith.index_cast %mul3A_70 : i32 to index
      %get3A_143 = tpu.vector_load %arg8[%get3A_141, %get3A_142] {strides = array<i32>} : memref<8x640xf32, #tpu.memory_space<vmem>>, vector<1x16xf32>,
      %get3A_144 = vector.shape_cast %get3A_143 : vector<1x16xf32> to vector<16xf32>
      %get3A_145 = arith.constant 3 : i32
      %get3A_146 = arith.index_cast %get3A_145 : i32 to index
      %get3A_147 = arith.index_cast %mul3A_70 : i32 to index
      %get3A_148 = tpu.vector_load %arg8[%get3A_146, %get3A_147] {strides = array<i32>} : memref<8x640xf32, #tpu.memory_space<vmem>>, vector<1x16xf32>,
      %get3A_149 = vector.shape_cast %get3A_148 : vector<1x16xf32> to vector<16xf32>
      %sub3A_150 = arith.subf %get3A_89, %get3A_79 : vector<16xf32>
      %add3A_151 = arith.constant 1.000000e+00 : f32
      %add3A_152 = vector.broadcast %add3A_151 : f32 to vector<16xf32>
      %add3A_153 = arith.addf %sub3A_150, %add3A_152 : vector<16xf32>
      %sub3A_154 = arith.subf %get3A_94, %get3A_84 : vector<16xf32>
      %add3A_155 = arith.constant 1.000000e+00 : f32
      %add3A_156 = vector.broadcast %add3A_155 : f32 to vector<16xf32>
      %add3A_157 = arith.addf %sub3A_154, %add3A_156 : vector<16xf32>
      %mul3A_158 = arith.constant 5.000000e-01 : f32
      %mul3A_159 = vector.broadcast %mul3A_158 : f32 to vector<16xf32>
      %mul3A_160 = arith.mulf %mul3A_159, %add3A_153 : vector<16xf32>
      %add3A_161 = arith.addf %get3A_79, %mul3A_160 : vector<16xf32>
      %mul3A_162 = arith.constant 5.000000e-01 : f32
      %mul3A_163 = vector.broadcast %mul3A_162 : f32 to vector<16xf32>
      %mul3A_164 = arith.mulf %mul3A_163, %add3A_157 : vector<16xf32>
      %add3A_165 = arith.addf %get3A_84, %mul3A_164 : vector<16xf32>
      %mul3A_166 = arith.mulf %get3A_134, %add3A_153 : vector<16xf32>
      %add3A_167 = arith.addf %mul3A_166, %add3A_161 : vector<16xf32>
      %mul3A_168 = arith.mulf %get3A_139, %add3A_157 : vector<16xf32>
      %add3A_169 = arith.addf %mul3A_168, %add3A_165 : vector<16xf32>
      %exp3A = math.exp %get3A_144 : vector<16xf32>
      %mul3A_170 = arith.mulf %exp3A, %add3A_153 : vector<16xf32>
      %exp3A_171 = math.exp %get3A_149 : vector<16xf32>
      %mul3A_172 = arith.mulf %exp3A_171, %add3A_157 : vector<16xf32>
      %mul3A_173 = arith.constant 5.000000e-01 : f32
      %mul3A_174 = vector.broadcast %mul3A_173 : f32 to vector<16xf32>
      %mul3A_175 = arith.mulf %mul3A_174, %mul3A_170 : vector<16xf32>
      %sub3A_176 = arith.subf %add3A_167, %mul3A_175 : vector<16xf32>
      %mul3A_177 = arith.constant 5.000000e-01 : f32
      %mul3A_178 = vector.broadcast %mul3A_177 : f32 to vector<16xf32>
      %mul3A_179 = arith.mulf %mul3A_178, %mul3A_172 : vector<16xf32>
      %sub3A_180 = arith.subf %add3A_169, %mul3A_179 : vector<16xf32>
      %mul3A_181 = arith.constant 5.000000e-01 : f32
      %mul3A_182 = vector.broadcast %mul3A_181 : f32 to vector<16xf32>
      %mul3A_183 = arith.mulf %mul3A_182, %mul3A_170 : vector<16xf32>
      %add3A_184 = arith.addf %add3A_167, %mul3A_183 : vector<16xf32>
      %mul3A_185 = arith.constant 5.000000e-01 : f32
      %mul3A_186 = vector.broadcast %mul3A_185 : f32 to vector<16xf32>
      %mul3A_187 = arith.mulf %mul3A_186, %mul3A_172 : vector<16xf32>
      %add3A_188 = arith.addf %add3A_169, %mul3A_187 : vector<16xf32>
      %min3A = arith.minimumf %add3A_184, %scan3A_126#3 : vector<16xf32>
      %max3A = arith.maximumf %sub3A_176, %scan3A_126#1 : vector<16xf32>
      %sub3A_189 = arith.subf %min3A, %max3A : vector<16xf32>
      %max3A_190 = arith.constant 0.000000e+00 : f32
      %max3A_191 = vector.broadcast %max3A_190 : f32 to vector<16xf32>
      %max3A_192 = arith.maximumf %sub3A_189, %max3A_191 : vector<16xf32>
      %min3A_193 = arith.minimumf %add3A_188, %scan3A_126#4 : vector<16xf32>
      %max3A_194 = arith.maximumf %sub3A_180, %scan3A_126#2 : vector<16xf32>
      %sub3A_195 = arith.subf %min3A_193, %max3A_194 : vector<16xf32>
      %max3A_196 = arith.constant 0.000000e+00 : f32
      %max3A_197 = vector.broadcast %max3A_196 : f32 to vector<16xf32>
      %max3A_198 = arith.maximumf %sub3A_195, %max3A_197 : vector<16xf32>
      %mul3A_199 = arith.mulf %max3A_192, %max3A_198 : vector<16xf32>
      %sub3A_200 = arith.subf %add3A_184, %sub3A_176 : vector<16xf32>
      %sub3A_201 = arith.subf %add3A_188, %sub3A_180 : vector<16xf32>
      %mul3A_202 = arith.mulf %sub3A_200, %sub3A_201 : vector<16xf32>
      %sub3A_203 = arith.subf %scan3A_126#3, %scan3A_126#1 : vector<16xf32>
      %sub3A_204 = arith.subf %scan3A_126#4, %scan3A_126#2 : vector<16xf32>
      %mul3A_205 = arith.mulf %sub3A_203, %sub3A_204 : vector<16xf32>
      %add3A_206 = arith.addf %mul3A_202, %mul3A_205 : vector<16xf32>
      %sub3A_207 = arith.subf %add3A_206, %mul3A_199 : vector<16xf32>
      %mul3A_208 = arith.constant 1.000000e-01 : f32
      %mul3A_209 = vector.broadcast %mul3A_208 : f32 to vector<16xf32>
      %mul3A_210 = arith.mulf %mul3A_209, %sub3A_207 : vector<16xf32>
      %add3A_211 = arith.addf %mul3A_199, %mul3A_210 : vector<16xf32>
      %div3A = arith.divf %sub3A_207, %add3A_211 : vector<16xf32>
      %bitcast_convert_type3A = tpu.bitcast %div3A : vector<16xf32> -> vector<16xi32>
      %shift_right_arithmetic3A = arith.constant 23 : i32
      %shift_right_arithmetic3A_212 = vector.broadcast %shift_right_arithmetic3A : i32 to vector<16xi32>
      %shift_right_arithmetic3A_213 = arith.shrsi %bitcast_convert_type3A, %shift_right_arithmetic3A_212 : vector<16xi32>
      %and3A = arith.constant 255 : i32
      %and3A_214 = vector.broadcast %and3A : i32 to vector<16xi32>
      %and3A_215 = arith.andi %shift_right_arithmetic3A_213, %and3A_214 : vector<16xi32>
      %sub3A_216 = arith.constant 127 : i32
      %sub3A_217 = vector.broadcast %sub3A_216 : i32 to vector<16xi32>
      %sub3A_218 = arith.subi %and3A_215, %sub3A_217 : vector<16xi32>
      %and3A_219 = arith.constant 8388607 : i32
      %and3A_220 = vector.broadcast %and3A_219 : i32 to vector<16xi32>
      %and3A_221 = arith.andi %bitcast_convert_type3A, %and3A_220 : vector<16xi32>
      %or3A = arith.constant 1065353216 : i32
      %or3A_222 = vector.broadcast %or3A : i32 to vector<16xi32>
      %or3A_223 = arith.ori %and3A_221, %or3A_222 : vector<16xi32>
      %bitcast_convert_type3A_224 = tpu.bitcast %or3A_223 : vector<16xi32> -> vector<16xf32>
      %gt3A_225 = arith.constant 1.41421354 : f32
      %gt3A_226 = vector.broadcast %gt3A_225 : f32 to vector<16xf32>
      %gt3A_227 = arith.cmpf ogt, %bitcast_convert_type3A_224, %gt3A_226 : vector<16xf32>
      %mul3A_228 = arith.constant 5.000000e-01 : f32
      %mul3A_229 = vector.broadcast %mul3A_228 : f32 to vector<16xf32>
      %mul3A_230 = arith.mulf %bitcast_convert_type3A_224, %mul3A_229 : vector<16xf32>
      %select_n3A = arith.select %gt3A_227, %mul3A_230, %bitcast_convert_type3A_224 : vector<16xi1>, vector<16xf32>
      %jit3A = arith.constant 1 : i32
      %jit3A_231 = arith.constant 0 : i32
      %broadcast_in_dim3A_232 = vector.broadcast %jit3A : i32 to vector<16xi32>
      %broadcast_in_dim3A_233 = vector.broadcast %jit3A_231 : i32 to vector<16xi32>
      %select_n3A_234 = arith.select %gt3A_227, %broadcast_in_dim3A_232, %broadcast_in_dim3A_233 : vector<16xi1>, vector<16xi32>
      %add3A_235 = arith.addi %sub3A_218, %select_n3A_234 : vector<16xi32>
      %convert_element_type3A = arith.sitofp %add3A_235 : vector<16xi32> to vector<16xf32>
      %sub3A_236 = arith.constant 1.000000e+00 : f32
      %sub3A_237 = vector.broadcast %sub3A_236 : f32 to vector<16xf32>
      %sub3A_238 = arith.subf %select_n3A, %sub3A_237 : vector<16xf32>
      %add3A_239 = arith.constant 1.000000e+00 : f32
      %add3A_240 = vector.broadcast %add3A_239 : f32 to vector<16xf32>
      %add3A_241 = arith.addf %select_n3A, %add3A_240 : vector<16xf32>
      %div3A_242 = arith.divf %sub3A_238, %add3A_241 : vector<16xf32>
      %mul3A_243 = arith.mulf %div3A_242, %div3A_242 : vector<16xf32>
      %mul3A_244 = arith.constant 2.000000e+00 : f32
      %mul3A_245 = vector.broadcast %mul3A_244 : f32 to vector<16xf32>
      %mul3A_246 = arith.mulf %mul3A_245, %div3A_242 : vector<16xf32>
      %mul3A_247 = arith.constant 0.142857149 : f32
      %mul3A_248 = vector.broadcast %mul3A_247 : f32 to vector<16xf32>
      %mul3A_249 = arith.mulf %mul3A_243, %mul3A_248 : vector<16xf32>
      %add3A_250 = arith.constant 2.000000e-01 : f32
      %add3A_251 = vector.broadcast %add3A_250 : f32 to vector<16xf32>
      %add3A_252 = arith.addf %add3A_251, %mul3A_249 : vector<16xf32>
      %mul3A_253 = arith.mulf %mul3A_243, %add3A_252 : vector<16xf32>
      %add3A_254 = arith.constant 0.333333343 : f32
      %add3A_255 = vector.broadcast %add3A_254 : f32 to vector<16xf32>
      %add3A_256 = arith.addf %add3A_255, %mul3A_253 : vector<16xf32>
      %mul3A_257 = arith.mulf %mul3A_243, %add3A_256 : vector<16xf32>
      %add3A_258 = arith.constant 1.000000e+00 : f32
      %add3A_259 = vector.broadcast %add3A_258 : f32 to vector<16xf32>
      %add3A_260 = arith.addf %add3A_259, %mul3A_257 : vector<16xf32>
      %mul3A_261 = arith.mulf %mul3A_246, %add3A_260 : vector<16xf32>
      %mul3A_262 = arith.constant 0.693147182 : f32
      %mul3A_263 = vector.broadcast %mul3A_262 : f32 to vector<16xf32>
      %mul3A_264 = arith.mulf %convert_element_type3A, %mul3A_263 : vector<16xf32>
      %add3A_265 = arith.addf %mul3A_264, %mul3A_261 : vector<16xf32>
      %jit3A_266 = arith.constant 0.000000e+00 : f32
      %broadcast_in_dim3A_267 = vector.broadcast %jit3A_266 : f32 to vector<16xf32>
      %select_n3A_268 = arith.select %gt3A_129, %add3A_265, %broadcast_in_dim3A_267 : vector<16xi1>, vector<16xf32>
      %jit3A_269 = arith.constant 1.000000e+00 : f32
      %jit3A_270 = arith.constant 0.000000e+00 : f32
      %broadcast_in_dim3A_271 = vector.broadcast %jit3A_269 : f32 to vector<16xf32>
      %broadcast_in_dim3A_272 = vector.broadcast %jit3A_270 : f32 to vector<16xf32>
      %select_n3A_273 = arith.select %gt3A_129, %broadcast_in_dim3A_271, %broadcast_in_dim3A_272 : vector<16xi1>, vector<16xf32>
      %max3A_274 = arith.constant 0.000000e+00 : f32
      %max3A_275 = vector.broadcast %max3A_274 : f32 to vector<16xf32>
      %max3A_276 = arith.maximumf %sub3A_176, %max3A_275 : vector<16xf32>
      %min3A_277 = arith.minimumf %max3A_276, %get3A_29 : vector<16xf32>
      %max3A_278 = arith.constant 0.000000e+00 : f32
      %max3A_279 = vector.broadcast %max3A_278 : f32 to vector<16xf32>
      %max3A_280 = arith.maximumf %sub3A_180, %max3A_279 : vector<16xf32>
      %min3A_281 = arith.minimumf %max3A_280, %get3A_34 : vector<16xf32>
      %max3A_282 = arith.constant 0.000000e+00 : f32
      %max3A_283 = vector.broadcast %max3A_282 : f32 to vector<16xf32>
      %max3A_284 = arith.maximumf %add3A_184, %max3A_283 : vector<16xf32>
      %min3A_285 = arith.minimumf %max3A_284, %get3A_29 : vector<16xf32>
      %max3A_286 = arith.constant 0.000000e+00 : f32
      %max3A_287 = vector.broadcast %max3A_286 : f32 to vector<16xf32>
      %max3A_288 = arith.maximumf %add3A_188, %max3A_287 : vector<16xf32>
      %min3A_289 = arith.minimumf %max3A_288, %get3A_34 : vector<16xf32>
      %gt3A_290 = arith.constant 0.230769232 : f32
      %gt3A_291 = vector.broadcast %gt3A_290 : f32 to vector<16xf32>
      %gt3A_292 = arith.cmpf ogt, %scan3A_126#5, %gt3A_291 : vector<16xf32>
      %get3A_293 = arith.constant 0 : i32
      %get3A_294 = arith.index_cast %get3A_293 : i32 to index
      %get3A_295 = arith.index_cast %add3A_74 : i32 to index
      %get3A_296 = tpu.vector_load %arg8[%get3A_294, %get3A_295] {strides = array<i32>} : memref<8x640xf32, #tpu.memory_space<vmem>>, vector<1x16xf32>,
      %get3A_297 = vector.shape_cast %get3A_296 : vector<1x16xf32> to vector<16xf32>
      %get3A_298 = arith.constant 1 : i32
      %get3A_299 = arith.index_cast %get3A_298 : i32 to index
      %get3A_300 = arith.index_cast %add3A_74 : i32 to index
      %get3A_301 = tpu.vector_load %arg8[%get3A_299, %get3A_300] {strides = array<i32>} : memref<8x640xf32, #tpu.memory_space<vmem>>, vector<1x16xf32>,
      %get3A_302 = vector.shape_cast %get3A_301 : vector<1x16xf32> to vector<16xf32>
      %get3A_303 = arith.constant 2 : i32
      %get3A_304 = arith.index_cast %get3A_303 : i32 to index
      %get3A_305 = arith.index_cast %add3A_74 : i32 to index
      %get3A_306 = tpu.vector_load %arg8[%get3A_304, %get3A_305] {strides = array<i32>} : memref<8x640xf32, #tpu.memory_space<vmem>>, vector<1x16xf32>,
      %get3A_307 = vector.shape_cast %get3A_306 : vector<1x16xf32> to vector<16xf32>
      %get3A_308 = arith.constant 3 : i32
      %get3A_309 = arith.index_cast %get3A_308 : i32 to index
      %get3A_310 = arith.index_cast %add3A_74 : i32 to index
      %get3A_311 = tpu.vector_load %arg8[%get3A_309, %get3A_310] {strides = array<i32>} : memref<8x640xf32, #tpu.memory_space<vmem>>, vector<1x16xf32>,
      %get3A_312 = vector.shape_cast %get3A_311 : vector<1x16xf32> to vector<16xf32>
      %sub3A_313 = arith.subf %get3A_109, %get3A_99 : vector<16xf32>
      %add3A_314 = arith.constant 1.000000e+00 : f32
      %add3A_315 = vector.broadcast %add3A_314 : f32 to vector<16xf32>
      %add3A_316 = arith.addf %sub3A_313, %add3A_315 : vector<16xf32>
      %sub3A_317 = arith.subf %get3A_114, %get3A_104 : vector<16xf32>
      %add3A_318 = arith.constant 1.000000e+00 : f32
      %add3A_319 = vector.broadcast %add3A_318 : f32 to vector<16xf32>
      %add3A_320 = arith.addf %sub3A_317, %add3A_319 : vector<16xf32>
      %mul3A_321 = arith.constant 5.000000e-01 : f32
      %mul3A_322 = vector.broadcast %mul3A_321 : f32 to vector<16xf32>
      %mul3A_323 = arith.mulf %mul3A_322, %add3A_316 : vector<16xf32>
      %add3A_324 = arith.addf %get3A_99, %mul3A_323 : vector<16xf32>
      %mul3A_325 = arith.constant 5.000000e-01 : f32
      %mul3A_326 = vector.broadcast %mul3A_325 : f32 to vector<16xf32>
      %mul3A_327 = arith.mulf %mul3A_326, %add3A_320 : vector<16xf32>
      %add3A_328 = arith.addf %get3A_104, %mul3A_327 : vector<16xf32>
      %mul3A_329 = arith.mulf %get3A_297, %add3A_316 : vector<16xf32>
      %add3A_330 = arith.addf %mul3A_329, %add3A_324 : vector<16xf32>
      %mul3A_331 = arith.mulf %get3A_302, %add3A_320 : vector<16xf32>
      %add3A_332 = arith.addf %mul3A_331, %add3A_328 : vector<16xf32>
      %exp3A_333 = math.exp %get3A_307 : vector<16xf32>
      %mul3A_334 = arith.mulf %exp3A_333, %add3A_316 : vector<16xf32>
      %exp3A_335 = math.exp %get3A_312 : vector<16xf32>
      %mul3A_336 = arith.mulf %exp3A_335, %add3A_320 : vector<16xf32>
      %mul3A_337 = arith.constant 5.000000e-01 : f32
      %mul3A_338 = vector.broadcast %mul3A_337 : f32 to vector<16xf32>
      %mul3A_339 = arith.mulf %mul3A_338, %mul3A_334 : vector<16xf32>
      %sub3A_340 = arith.subf %add3A_330, %mul3A_339 : vector<16xf32>
      %mul3A_341 = arith.constant 5.000000e-01 : f32
      %mul3A_342 = vector.broadcast %mul3A_341 : f32 to vector<16xf32>
      %mul3A_343 = arith.mulf %mul3A_342, %mul3A_336 : vector<16xf32>
      %sub3A_344 = arith.subf %add3A_332, %mul3A_343 : vector<16xf32>
      %mul3A_345 = arith.constant 5.000000e-01 : f32
      %mul3A_346 = vector.broadcast %mul3A_345 : f32 to vector<16xf32>
      %mul3A_347 = arith.mulf %mul3A_346, %mul3A_334 : vector<16xf32>
      %add3A_348 = arith.addf %add3A_330, %mul3A_347 : vector<16xf32>
      %mul3A_349 = arith.constant 5.000000e-01 : f32
      %mul3A_350 = vector.broadcast %mul3A_349 : f32 to vector<16xf32>
      %mul3A_351 = arith.mulf %mul3A_350, %mul3A_336 : vector<16xf32>
      %add3A_352 = arith.addf %add3A_332, %mul3A_351 : vector<16xf32>
      %min3A_353 = arith.minimumf %add3A_348, %scan3A_126#8 : vector<16xf32>
      %max3A_354 = arith.maximumf %sub3A_340, %scan3A_126#6 : vector<16xf32>
      %sub3A_355 = arith.subf %min3A_353, %max3A_354 : vector<16xf32>
      %max3A_356 = arith.constant 0.000000e+00 : f32
      %max3A_357 = vector.broadcast %max3A_356 : f32 to vector<16xf32>
      %max3A_358 = arith.maximumf %sub3A_355, %max3A_357 : vector<16xf32>
      %min3A_359 = arith.minimumf %add3A_352, %scan3A_126#9 : vector<16xf32>
      %max3A_360 = arith.maximumf %sub3A_344, %scan3A_126#7 : vector<16xf32>
      %sub3A_361 = arith.subf %min3A_359, %max3A_360 : vector<16xf32>
      %max3A_362 = arith.constant 0.000000e+00 : f32
      %max3A_363 = vector.broadcast %max3A_362 : f32 to vector<16xf32>
      %max3A_364 = arith.maximumf %sub3A_361, %max3A_363 : vector<16xf32>
      %mul3A_365 = arith.mulf %max3A_358, %max3A_364 : vector<16xf32>
      %sub3A_366 = arith.subf %add3A_348, %sub3A_340 : vector<16xf32>
      %sub3A_367 = arith.subf %add3A_352, %sub3A_344 : vector<16xf32>
      %mul3A_368 = arith.mulf %sub3A_366, %sub3A_367 : vector<16xf32>
      %sub3A_369 = arith.subf %scan3A_126#8, %scan3A_126#6 : vector<16xf32>
      %sub3A_370 = arith.subf %scan3A_126#9, %scan3A_126#7 : vector<16xf32>
      %mul3A_371 = arith.mulf %sub3A_369, %sub3A_370 : vector<16xf32>
      %add3A_372 = arith.addf %mul3A_368, %mul3A_371 : vector<16xf32>
      %sub3A_373 = arith.subf %add3A_372, %mul3A_365 : vector<16xf32>
      %mul3A_374 = arith.constant 1.000000e-01 : f32
      %mul3A_375 = vector.broadcast %mul3A_374 : f32 to vector<16xf32>
      %mul3A_376 = arith.mulf %mul3A_375, %sub3A_373 : vector<16xf32>
      %add3A_377 = arith.addf %mul3A_365, %mul3A_376 : vector<16xf32>
      %div3A_378 = arith.divf %sub3A_373, %add3A_377 : vector<16xf32>
      %bitcast_convert_type3A_379 = tpu.bitcast %div3A_378 : vector<16xf32> -> vector<16xi32>
      %shift_right_arithmetic3A_380 = arith.constant 23 : i32
      %shift_right_arithmetic3A_381 = vector.broadcast %shift_right_arithmetic3A_380 : i32 to vector<16xi32>
      %shift_right_arithmetic3A_382 = arith.shrsi %bitcast_convert_type3A_379, %shift_right_arithmetic3A_381 : vector<16xi32>
      %and3A_383 = arith.constant 255 : i32
      %and3A_384 = vector.broadcast %and3A_383 : i32 to vector<16xi32>
      %and3A_385 = arith.andi %shift_right_arithmetic3A_382, %and3A_384 : vector<16xi32>
      %sub3A_386 = arith.constant 127 : i32
      %sub3A_387 = vector.broadcast %sub3A_386 : i32 to vector<16xi32>
      %sub3A_388 = arith.subi %and3A_385, %sub3A_387 : vector<16xi32>
      %and3A_389 = arith.constant 8388607 : i32
      %and3A_390 = vector.broadcast %and3A_389 : i32 to vector<16xi32>
      %and3A_391 = arith.andi %bitcast_convert_type3A_379, %and3A_390 : vector<16xi32>
      %or3A_392 = arith.constant 1065353216 : i32
      %or3A_393 = vector.broadcast %or3A_392 : i32 to vector<16xi32>
      %or3A_394 = arith.ori %and3A_391, %or3A_393 : vector<16xi32>
      %bitcast_convert_type3A_395 = tpu.bitcast %or3A_394 : vector<16xi32> -> vector<16xf32>
      %gt3A_396 = arith.constant 1.41421354 : f32
      %gt3A_397 = vector.broadcast %gt3A_396 : f32 to vector<16xf32>
      %gt3A_398 = arith.cmpf ogt, %bitcast_convert_type3A_395, %gt3A_397 : vector<16xf32>
      %mul3A_399 = arith.constant 5.000000e-01 : f32
      %mul3A_400 = vector.broadcast %mul3A_399 : f32 to vector<16xf32>
      %mul3A_401 = arith.mulf %bitcast_convert_type3A_395, %mul3A_400 : vector<16xf32>
      %select_n3A_402 = arith.select %gt3A_398, %mul3A_401, %bitcast_convert_type3A_395 : vector<16xi1>, vector<16xf32>
      %jit3A_403 = arith.constant 1 : i32
      %jit3A_404 = arith.constant 0 : i32
      %broadcast_in_dim3A_405 = vector.broadcast %jit3A_403 : i32 to vector<16xi32>
      %broadcast_in_dim3A_406 = vector.broadcast %jit3A_404 : i32 to vector<16xi32>
      %select_n3A_407 = arith.select %gt3A_398, %broadcast_in_dim3A_405, %broadcast_in_dim3A_406 : vector<16xi1>, vector<16xi32>
      %add3A_408 = arith.addi %sub3A_388, %select_n3A_407 : vector<16xi32>
      %convert_element_type3A_409 = arith.sitofp %add3A_408 : vector<16xi32> to vector<16xf32>
      %sub3A_410 = arith.constant 1.000000e+00 : f32
      %sub3A_411 = vector.broadcast %sub3A_410 : f32 to vector<16xf32>
      %sub3A_412 = arith.subf %select_n3A_402, %sub3A_411 : vector<16xf32>
      %add3A_413 = arith.constant 1.000000e+00 : f32
      %add3A_414 = vector.broadcast %add3A_413 : f32 to vector<16xf32>
      %add3A_415 = arith.addf %select_n3A_402, %add3A_414 : vector<16xf32>
      %div3A_416 = arith.divf %sub3A_412, %add3A_415 : vector<16xf32>
      %mul3A_417 = arith.mulf %div3A_416, %div3A_416 : vector<16xf32>
      %mul3A_418 = arith.constant 2.000000e+00 : f32
      %mul3A_419 = vector.broadcast %mul3A_418 : f32 to vector<16xf32>
      %mul3A_420 = arith.mulf %mul3A_419, %div3A_416 : vector<16xf32>
      %mul3A_421 = arith.constant 0.142857149 : f32
      %mul3A_422 = vector.broadcast %mul3A_421 : f32 to vector<16xf32>
      %mul3A_423 = arith.mulf %mul3A_417, %mul3A_422 : vector<16xf32>
      %add3A_424 = arith.constant 2.000000e-01 : f32
      %add3A_425 = vector.broadcast %add3A_424 : f32 to vector<16xf32>
      %add3A_426 = arith.addf %add3A_425, %mul3A_423 : vector<16xf32>
      %mul3A_427 = arith.mulf %mul3A_417, %add3A_426 : vector<16xf32>
      %add3A_428 = arith.constant 0.333333343 : f32
      %add3A_429 = vector.broadcast %add3A_428 : f32 to vector<16xf32>
      %add3A_430 = arith.addf %add3A_429, %mul3A_427 : vector<16xf32>
      %mul3A_431 = arith.mulf %mul3A_417, %add3A_430 : vector<16xf32>
      %add3A_432 = arith.constant 1.000000e+00 : f32
      %add3A_433 = vector.broadcast %add3A_432 : f32 to vector<16xf32>
      %add3A_434 = arith.addf %add3A_433, %mul3A_431 : vector<16xf32>
      %mul3A_435 = arith.mulf %mul3A_420, %add3A_434 : vector<16xf32>
      %mul3A_436 = arith.constant 0.693147182 : f32
      %mul3A_437 = vector.broadcast %mul3A_436 : f32 to vector<16xf32>
      %mul3A_438 = arith.mulf %convert_element_type3A_409, %mul3A_437 : vector<16xf32>
      %add3A_439 = arith.addf %mul3A_438, %mul3A_435 : vector<16xf32>
      %jit3A_440 = arith.constant 0.000000e+00 : f32
      %broadcast_in_dim3A_441 = vector.broadcast %jit3A_440 : f32 to vector<16xf32>
      %select_n3A_442 = arith.select %gt3A_292, %add3A_439, %broadcast_in_dim3A_441 : vector<16xi1>, vector<16xf32>
      %jit3A_443 = arith.constant 1.000000e+00 : f32
      %jit3A_444 = arith.constant 0.000000e+00 : f32
      %broadcast_in_dim3A_445 = vector.broadcast %jit3A_443 : f32 to vector<16xf32>
      %broadcast_in_dim3A_446 = vector.broadcast %jit3A_444 : f32 to vector<16xf32>
      %select_n3A_447 = arith.select %gt3A_292, %broadcast_in_dim3A_445, %broadcast_in_dim3A_446 : vector<16xi1>, vector<16xf32>
      %max3A_448 = arith.constant 0.000000e+00 : f32
      %max3A_449 = vector.broadcast %max3A_448 : f32 to vector<16xf32>
      %max3A_450 = arith.maximumf %sub3A_340, %max3A_449 : vector<16xf32>
      %min3A_451 = arith.minimumf %max3A_450, %get3A_29 : vector<16xf32>
      %max3A_452 = arith.constant 0.000000e+00 : f32
      %max3A_453 = vector.broadcast %max3A_452 : f32 to vector<16xf32>
      %max3A_454 = arith.maximumf %sub3A_344, %max3A_453 : vector<16xf32>
      %min3A_455 = arith.minimumf %max3A_454, %get3A_34 : vector<16xf32>
      %max3A_456 = arith.constant 0.000000e+00 : f32
      %max3A_457 = vector.broadcast %max3A_456 : f32 to vector<16xf32>
      %max3A_458 = arith.maximumf %add3A_348, %max3A_457 : vector<16xf32>
      %min3A_459 = arith.minimumf %max3A_458, %get3A_29 : vector<16xf32>
      %max3A_460 = arith.constant 0.000000e+00 : f32
      %max3A_461 = vector.broadcast %max3A_460 : f32 to vector<16xf32>
      %max3A_462 = arith.maximumf %add3A_352, %max3A_461 : vector<16xf32>
      %min3A_463 = arith.minimumf %max3A_462, %get3A_34 : vector<16xf32>
      %sub3A_464 = arith.subf %min3A_285, %min3A_277 : vector<16xf32>
      %sub3A_465 = arith.subf %min3A_289, %min3A_281 : vector<16xf32>
      %mul3A_466 = arith.mulf %sub3A_464, %sub3A_465 : vector<16xf32>
      %sub3A_467 = arith.subf %min3A_459, %min3A_451 : vector<16xf32>
      %sub3A_468 = arith.subf %min3A_463, %min3A_455 : vector<16xf32>
      %mul3A_469 = arith.mulf %sub3A_467, %sub3A_468 : vector<16xf32>
      %broadcast_in_dim3A_470 = arith.constant 0.000000e+00 : f32
      %broadcast_in_dim3A_471 = vector.broadcast %broadcast_in_dim3A_470 : f32 to vector<16xf32>
      %scan3A_472 = arith.constant 0 : i32
      %scan3A_473 = arith.constant 128 : i32
      %scan3A_474 = arith.addi %scan3A_472, %scan3A_473 : i32
      %scan3A_475 = arith.constant 2 : i32
      %scan3A_476:10 = scf.for %scan3A_834 = %scan3A_472 to %scan3A_474 step %scan3A_475 iter_args(%scan3A_835 = %broadcast_in_dim3A_471, %scan3A_836 = %broadcast_in_dim3A_471, %scan3A_837 = %broadcast_in_dim3A_471, %scan3A_838 = %broadcast_in_dim3A_471, %scan3A_839 = %broadcast_in_dim3A_471, %scan3A_840 = %broadcast_in_dim3A_471, %scan3A_841 = %broadcast_in_dim3A_471, %scan3A_842 = %broadcast_in_dim3A_471, %scan3A_843 = %broadcast_in_dim3A_471, %scan3A_844 = %broadcast_in_dim3A_471) -> (vector<16xf32>, vector<16xf32>, vector<16xf32>, vector<16xf32>, vector<16xf32>, vector<16xf32>, vector<16xf32>, vector<16xf32>, vector<16xf32>, vector<16xf32>)  : i32 {
        %mul3A_845 = arith.constant 16 : i32
        %mul3A_846 = arith.muli %scan3A_834, %mul3A_845 : i32
        %get3A_847 = arith.constant 0 : i32
        %get3A_848 = arith.index_cast %get3A_847 : i32 to index
        %get3A_849 = arith.index_cast %mul3A_846 : i32 to index
        %get3A_850 = tpu.vector_load %arg9[%get3A_848, %get3A_849] {strides = array<i32>} : memref<5x2048xf32, #tpu.memory_space<vmem>>, vector<1x16xf32>,
        %get3A_851 = vector.shape_cast %get3A_850 : vector<1x16xf32> to vector<16xf32>
        %get3A_852 = arith.constant 1 : i32
        %get3A_853 = arith.index_cast %get3A_852 : i32 to index
        %get3A_854 = arith.index_cast %mul3A_846 : i32 to index
        %get3A_855 = tpu.vector_load %arg9[%get3A_853, %get3A_854] {strides = array<i32>} : memref<5x2048xf32, #tpu.memory_space<vmem>>, vector<1x16xf32>,
        %get3A_856 = vector.shape_cast %get3A_855 : vector<1x16xf32> to vector<16xf32>
        %get3A_857 = arith.constant 2 : i32
        %get3A_858 = arith.index_cast %get3A_857 : i32 to index
        %get3A_859 = arith.index_cast %mul3A_846 : i32 to index
        %get3A_860 = tpu.vector_load %arg9[%get3A_858, %get3A_859] {strides = array<i32>} : memref<5x2048xf32, #tpu.memory_space<vmem>>, vector<1x16xf32>,
        %get3A_861 = vector.shape_cast %get3A_860 : vector<1x16xf32> to vector<16xf32>
        %get3A_862 = arith.constant 3 : i32
        %get3A_863 = arith.index_cast %get3A_862 : i32 to index
        %get3A_864 = arith.index_cast %mul3A_846 : i32 to index
        %get3A_865 = tpu.vector_load %arg9[%get3A_863, %get3A_864] {strides = array<i32>} : memref<5x2048xf32, #tpu.memory_space<vmem>>, vector<1x16xf32>,
        %get3A_866 = vector.shape_cast %get3A_865 : vector<1x16xf32> to vector<16xf32>
        %get3A_867 = arith.constant 4 : i32
        %get3A_868 = arith.index_cast %get3A_867 : i32 to index
        %get3A_869 = arith.index_cast %mul3A_846 : i32 to index
        %get3A_870 = tpu.vector_load %arg9[%get3A_868, %get3A_869] {strides = array<i32>} : memref<5x2048xf32, #tpu.memory_space<vmem>>, vector<1x16xf32>,
        %get3A_871 = vector.shape_cast %get3A_870 : vector<1x16xf32> to vector<16xf32>
        %min3A_872 = arith.minimumf %min3A_285, %get3A_861 : vector<16xf32>
        %max3A_873 = arith.maximumf %min3A_277, %get3A_851 : vector<16xf32>
        %sub3A_874 = arith.subf %min3A_872, %max3A_873 : vector<16xf32>
        %max3A_875 = arith.constant 0.000000e+00 : f32
        %max3A_876 = vector.broadcast %max3A_875 : f32 to vector<16xf32>
        %max3A_877 = arith.maximumf %sub3A_874, %max3A_876 : vector<16xf32>
        %min3A_878 = arith.minimumf %min3A_289, %get3A_866 : vector<16xf32>
        %max3A_879 = arith.maximumf %min3A_281, %get3A_856 : vector<16xf32>
        %sub3A_880 = arith.subf %min3A_878, %max3A_879 : vector<16xf32>
        %max3A_881 = arith.constant 0.000000e+00 : f32
        %max3A_882 = vector.broadcast %max3A_881 : f32 to vector<16xf32>
        %max3A_883 = arith.maximumf %sub3A_880, %max3A_882 : vector<16xf32>
        %mul3A_884 = arith.mulf %max3A_877, %max3A_883 : vector<16xf32>
        %add3A_885 = arith.addf %mul3A_466, %get3A_871 : vector<16xf32>
        %div3A_886 = arith.divf %mul3A_884, %add3A_885 : vector<16xf32>
        %gt3A_887 = arith.cmpf ogt, %div3A_886, %scan3A_835 : vector<16xf32>
        %select_n3A_888 = arith.select %gt3A_887, %div3A_886, %scan3A_835 : vector<16xi1>, vector<16xf32>
        %select_n3A_889 = arith.select %gt3A_887, %get3A_851, %scan3A_836 : vector<16xi1>, vector<16xf32>
        %select_n3A_890 = arith.select %gt3A_887, %get3A_856, %scan3A_837 : vector<16xi1>, vector<16xf32>
        %select_n3A_891 = arith.select %gt3A_887, %get3A_861, %scan3A_838 : vector<16xi1>, vector<16xf32>
        %select_n3A_892 = arith.select %gt3A_887, %get3A_866, %scan3A_839 : vector<16xi1>, vector<16xf32>
        %min3A_893 = arith.minimumf %min3A_459, %get3A_861 : vector<16xf32>
        %max3A_894 = arith.maximumf %min3A_451, %get3A_851 : vector<16xf32>
        %sub3A_895 = arith.subf %min3A_893, %max3A_894 : vector<16xf32>
        %max3A_896 = arith.constant 0.000000e+00 : f32
        %max3A_897 = vector.broadcast %max3A_896 : f32 to vector<16xf32>
        %max3A_898 = arith.maximumf %sub3A_895, %max3A_897 : vector<16xf32>
        %min3A_899 = arith.minimumf %min3A_463, %get3A_866 : vector<16xf32>
        %max3A_900 = arith.maximumf %min3A_455, %get3A_856 : vector<16xf32>
        %sub3A_901 = arith.subf %min3A_899, %max3A_900 : vector<16xf32>
        %max3A_902 = arith.constant 0.000000e+00 : f32
        %max3A_903 = vector.broadcast %max3A_902 : f32 to vector<16xf32>
        %max3A_904 = arith.maximumf %sub3A_901, %max3A_903 : vector<16xf32>
        %mul3A_905 = arith.mulf %max3A_898, %max3A_904 : vector<16xf32>
        %add3A_906 = arith.addf %mul3A_469, %get3A_871 : vector<16xf32>
        %div3A_907 = arith.divf %mul3A_905, %add3A_906 : vector<16xf32>
        %gt3A_908 = arith.cmpf ogt, %div3A_907, %scan3A_840 : vector<16xf32>
        %select_n3A_909 = arith.select %gt3A_908, %div3A_907, %scan3A_840 : vector<16xi1>, vector<16xf32>
        %select_n3A_910 = arith.select %gt3A_908, %get3A_851, %scan3A_841 : vector<16xi1>, vector<16xf32>
        %select_n3A_911 = arith.select %gt3A_908, %get3A_856, %scan3A_842 : vector<16xi1>, vector<16xf32>
        %select_n3A_912 = arith.select %gt3A_908, %get3A_861, %scan3A_843 : vector<16xi1>, vector<16xf32>
        %select_n3A_913 = arith.select %gt3A_908, %get3A_866, %scan3A_844 : vector<16xi1>, vector<16xf32>
        %scan3A_914 = arith.constant 1 : i32
        %scan3A_915 = arith.addi %scan3A_834, %scan3A_914 : i32
        %mul3A_916 = arith.constant 16 : i32
        %mul3A_917 = arith.muli %scan3A_915, %mul3A_916 : i32
        %get3A_918 = arith.constant 0 : i32
        %get3A_919 = arith.index_cast %get3A_918 : i32 to index
        %get3A_920 = arith.index_cast %mul3A_917 : i32 to index
        %get3A_921 = tpu.vector_load %arg9[%get3A_919, %get3A_920] {strides = array<i32>} : memref<5x2048xf32, #tpu.memory_space<vmem>>, vector<1x16xf32>,
        %get3A_922 = vector.shape_cast %get3A_921 : vector<1x16xf32> to vector<16xf32>
        %get3A_923 = arith.constant 1 : i32
        %get3A_924 = arith.index_cast %get3A_923 : i32 to index
        %get3A_925 = arith.index_cast %mul3A_917 : i32 to index
        %get3A_926 = tpu.vector_load %arg9[%get3A_924, %get3A_925] {strides = array<i32>} : memref<5x2048xf32, #tpu.memory_space<vmem>>, vector<1x16xf32>,
        %get3A_927 = vector.shape_cast %get3A_926 : vector<1x16xf32> to vector<16xf32>
        %get3A_928 = arith.constant 2 : i32
        %get3A_929 = arith.index_cast %get3A_928 : i32 to index
        %get3A_930 = arith.index_cast %mul3A_917 : i32 to index
        %get3A_931 = tpu.vector_load %arg9[%get3A_929, %get3A_930] {strides = array<i32>} : memref<5x2048xf32, #tpu.memory_space<vmem>>, vector<1x16xf32>,
        %get3A_932 = vector.shape_cast %get3A_931 : vector<1x16xf32> to vector<16xf32>
        %get3A_933 = arith.constant 3 : i32
        %get3A_934 = arith.index_cast %get3A_933 : i32 to index
        %get3A_935 = arith.index_cast %mul3A_917 : i32 to index
        %get3A_936 = tpu.vector_load %arg9[%get3A_934, %get3A_935] {strides = array<i32>} : memref<5x2048xf32, #tpu.memory_space<vmem>>, vector<1x16xf32>,
        %get3A_937 = vector.shape_cast %get3A_936 : vector<1x16xf32> to vector<16xf32>
        %get3A_938 = arith.constant 4 : i32
        %get3A_939 = arith.index_cast %get3A_938 : i32 to index
        %get3A_940 = arith.index_cast %mul3A_917 : i32 to index
        %get3A_941 = tpu.vector_load %arg9[%get3A_939, %get3A_940] {strides = array<i32>} : memref<5x2048xf32, #tpu.memory_space<vmem>>, vector<1x16xf32>,
        %get3A_942 = vector.shape_cast %get3A_941 : vector<1x16xf32> to vector<16xf32>
        %min3A_943 = arith.minimumf %min3A_285, %get3A_932 : vector<16xf32>
        %max3A_944 = arith.maximumf %min3A_277, %get3A_922 : vector<16xf32>
        %sub3A_945 = arith.subf %min3A_943, %max3A_944 : vector<16xf32>
        %max3A_946 = arith.constant 0.000000e+00 : f32
        %max3A_947 = vector.broadcast %max3A_946 : f32 to vector<16xf32>
        %max3A_948 = arith.maximumf %sub3A_945, %max3A_947 : vector<16xf32>
        %min3A_949 = arith.minimumf %min3A_289, %get3A_937 : vector<16xf32>
        %max3A_950 = arith.maximumf %min3A_281, %get3A_927 : vector<16xf32>
        %sub3A_951 = arith.subf %min3A_949, %max3A_950 : vector<16xf32>
        %max3A_952 = arith.constant 0.000000e+00 : f32
        %max3A_953 = vector.broadcast %max3A_952 : f32 to vector<16xf32>
        %max3A_954 = arith.maximumf %sub3A_951, %max3A_953 : vector<16xf32>
        %mul3A_955 = arith.mulf %max3A_948, %max3A_954 : vector<16xf32>
        %add3A_956 = arith.addf %mul3A_466, %get3A_942 : vector<16xf32>
        %div3A_957 = arith.divf %mul3A_955, %add3A_956 : vector<16xf32>
        %gt3A_958 = arith.cmpf ogt, %div3A_957, %select_n3A_888 : vector<16xf32>
        %select_n3A_959 = arith.select %gt3A_958, %div3A_957, %select_n3A_888 : vector<16xi1>, vector<16xf32>
        %select_n3A_960 = arith.select %gt3A_958, %get3A_922, %select_n3A_889 : vector<16xi1>, vector<16xf32>
        %select_n3A_961 = arith.select %gt3A_958, %get3A_927, %select_n3A_890 : vector<16xi1>, vector<16xf32>
        %select_n3A_962 = arith.select %gt3A_958, %get3A_932, %select_n3A_891 : vector<16xi1>, vector<16xf32>
        %select_n3A_963 = arith.select %gt3A_958, %get3A_937, %select_n3A_892 : vector<16xi1>, vector<16xf32>
        %min3A_964 = arith.minimumf %min3A_459, %get3A_932 : vector<16xf32>
        %max3A_965 = arith.maximumf %min3A_451, %get3A_922 : vector<16xf32>
        %sub3A_966 = arith.subf %min3A_964, %max3A_965 : vector<16xf32>
        %max3A_967 = arith.constant 0.000000e+00 : f32
        %max3A_968 = vector.broadcast %max3A_967 : f32 to vector<16xf32>
        %max3A_969 = arith.maximumf %sub3A_966, %max3A_968 : vector<16xf32>
        %min3A_970 = arith.minimumf %min3A_463, %get3A_937 : vector<16xf32>
        %max3A_971 = arith.maximumf %min3A_455, %get3A_927 : vector<16xf32>
        %sub3A_972 = arith.subf %min3A_970, %max3A_971 : vector<16xf32>
        %max3A_973 = arith.constant 0.000000e+00 : f32
        %max3A_974 = vector.broadcast %max3A_973 : f32 to vector<16xf32>
        %max3A_975 = arith.maximumf %sub3A_972, %max3A_974 : vector<16xf32>
        %mul3A_976 = arith.mulf %max3A_969, %max3A_975 : vector<16xf32>
        %add3A_977 = arith.addf %mul3A_469, %get3A_942 : vector<16xf32>
        %div3A_978 = arith.divf %mul3A_976, %add3A_977 : vector<16xf32>
        %gt3A_979 = arith.cmpf ogt, %div3A_978, %select_n3A_909 : vector<16xf32>
        %select_n3A_980 = arith.select %gt3A_979, %div3A_978, %select_n3A_909 : vector<16xi1>, vector<16xf32>
        %select_n3A_981 = arith.select %gt3A_979, %get3A_922, %select_n3A_910 : vector<16xi1>, vector<16xf32>
        %select_n3A_982 = arith.select %gt3A_979, %get3A_927, %select_n3A_911 : vector<16xi1>, vector<16xf32>
        %select_n3A_983 = arith.select %gt3A_979, %get3A_932, %select_n3A_912 : vector<16xi1>, vector<16xf32>
        %select_n3A_984 = arith.select %gt3A_979, %get3A_937, %select_n3A_913 : vector<16xi1>, vector<16xf32>
        scf.yield %select_n3A_959, %select_n3A_960, %select_n3A_961, %select_n3A_962, %select_n3A_963, %select_n3A_980, %select_n3A_981, %select_n3A_982, %select_n3A_983, %select_n3A_984 : vector<16xf32>, vector<16xf32>, vector<16xf32>, vector<16xf32>, vector<16xf32>, vector<16xf32>, vector<16xf32>, vector<16xf32>, vector<16xf32>, vector<16xf32>
      }
      %scan3A_477 = arith.constant 128 : i32
      %gt3A_478 = arith.constant 0.333333343 : f32
      %gt3A_479 = vector.broadcast %gt3A_478 : f32 to vector<16xf32>
      %gt3A_480 = arith.cmpf ogt, %scan3A_476#0, %gt3A_479 : vector<16xf32>
      %get3A_481 = arith.constant 4 : i32
      %get3A_482 = arith.index_cast %get3A_481 : i32 to index
      %get3A_483 = arith.index_cast %mul3A_70 : i32 to index
      %get3A_484 = tpu.vector_load %arg8[%get3A_482, %get3A_483] {strides = array<i32>} : memref<8x640xf32, #tpu.memory_space<vmem>>, vector<1x16xf32>,
      %get3A_485 = vector.shape_cast %get3A_484 : vector<1x16xf32> to vector<16xf32>
      %get3A_486 = arith.constant 5 : i32
      %get3A_487 = arith.index_cast %get3A_486 : i32 to index
      %get3A_488 = arith.index_cast %mul3A_70 : i32 to index
      %get3A_489 = tpu.vector_load %arg8[%get3A_487, %get3A_488] {strides = array<i32>} : memref<8x640xf32, #tpu.memory_space<vmem>>, vector<1x16xf32>,
      %get3A_490 = vector.shape_cast %get3A_489 : vector<1x16xf32> to vector<16xf32>
      %get3A_491 = arith.constant 6 : i32
      %get3A_492 = arith.index_cast %get3A_491 : i32 to index
      %get3A_493 = arith.index_cast %mul3A_70 : i32 to index
      %get3A_494 = tpu.vector_load %arg8[%get3A_492, %get3A_493] {strides = array<i32>} : memref<8x640xf32, #tpu.memory_space<vmem>>, vector<1x16xf32>,
      %get3A_495 = vector.shape_cast %get3A_494 : vector<1x16xf32> to vector<16xf32>
      %get3A_496 = arith.constant 7 : i32
      %get3A_497 = arith.index_cast %get3A_496 : i32 to index
      %get3A_498 = arith.index_cast %mul3A_70 : i32 to index
      %get3A_499 = tpu.vector_load %arg8[%get3A_497, %get3A_498] {strides = array<i32>} : memref<8x640xf32, #tpu.memory_space<vmem>>, vector<1x16xf32>,
      %get3A_500 = vector.shape_cast %get3A_499 : vector<1x16xf32> to vector<16xf32>
      %sub3A_501 = arith.subf %min3A_285, %min3A_277 : vector<16xf32>
      %add3A_502 = arith.constant 1.000000e+00 : f32
      %add3A_503 = vector.broadcast %add3A_502 : f32 to vector<16xf32>
      %add3A_504 = arith.addf %sub3A_501, %add3A_503 : vector<16xf32>
      %sub3A_505 = arith.subf %min3A_289, %min3A_281 : vector<16xf32>
      %add3A_506 = arith.constant 1.000000e+00 : f32
      %add3A_507 = vector.broadcast %add3A_506 : f32 to vector<16xf32>
      %add3A_508 = arith.addf %sub3A_505, %add3A_507 : vector<16xf32>
      %mul3A_509 = arith.constant 5.000000e-01 : f32
      %mul3A_510 = vector.broadcast %mul3A_509 : f32 to vector<16xf32>
      %mul3A_511 = arith.mulf %mul3A_510, %add3A_504 : vector<16xf32>
      %add3A_512 = arith.addf %min3A_277, %mul3A_511 : vector<16xf32>
      %mul3A_513 = arith.constant 5.000000e-01 : f32
      %mul3A_514 = vector.broadcast %mul3A_513 : f32 to vector<16xf32>
      %mul3A_515 = arith.mulf %mul3A_514, %add3A_508 : vector<16xf32>
      %add3A_516 = arith.addf %min3A_281, %mul3A_515 : vector<16xf32>
      %mul3A_517 = arith.mulf %get3A_485, %add3A_504 : vector<16xf32>
      %add3A_518 = arith.addf %mul3A_517, %add3A_512 : vector<16xf32>
      %mul3A_519 = arith.mulf %get3A_490, %add3A_508 : vector<16xf32>
      %add3A_520 = arith.addf %mul3A_519, %add3A_516 : vector<16xf32>
      %exp3A_521 = math.exp %get3A_495 : vector<16xf32>
      %mul3A_522 = arith.mulf %exp3A_521, %add3A_504 : vector<16xf32>
      %exp3A_523 = math.exp %get3A_500 : vector<16xf32>
      %mul3A_524 = arith.mulf %exp3A_523, %add3A_508 : vector<16xf32>
      %mul3A_525 = arith.constant 5.000000e-01 : f32
      %mul3A_526 = vector.broadcast %mul3A_525 : f32 to vector<16xf32>
      %mul3A_527 = arith.mulf %mul3A_526, %mul3A_522 : vector<16xf32>
      %sub3A_528 = arith.subf %add3A_518, %mul3A_527 : vector<16xf32>
      %mul3A_529 = arith.constant 5.000000e-01 : f32
      %mul3A_530 = vector.broadcast %mul3A_529 : f32 to vector<16xf32>
      %mul3A_531 = arith.mulf %mul3A_530, %mul3A_524 : vector<16xf32>
      %sub3A_532 = arith.subf %add3A_520, %mul3A_531 : vector<16xf32>
      %mul3A_533 = arith.constant 5.000000e-01 : f32
      %mul3A_534 = vector.broadcast %mul3A_533 : f32 to vector<16xf32>
      %mul3A_535 = arith.mulf %mul3A_534, %mul3A_522 : vector<16xf32>
      %add3A_536 = arith.addf %add3A_518, %mul3A_535 : vector<16xf32>
      %mul3A_537 = arith.constant 5.000000e-01 : f32
      %mul3A_538 = vector.broadcast %mul3A_537 : f32 to vector<16xf32>
      %mul3A_539 = arith.mulf %mul3A_538, %mul3A_524 : vector<16xf32>
      %add3A_540 = arith.addf %add3A_520, %mul3A_539 : vector<16xf32>
      %min3A_541 = arith.minimumf %add3A_536, %scan3A_476#3 : vector<16xf32>
      %max3A_542 = arith.maximumf %sub3A_528, %scan3A_476#1 : vector<16xf32>
      %sub3A_543 = arith.subf %min3A_541, %max3A_542 : vector<16xf32>
      %max3A_544 = arith.constant 0.000000e+00 : f32
      %max3A_545 = vector.broadcast %max3A_544 : f32 to vector<16xf32>
      %max3A_546 = arith.maximumf %sub3A_543, %max3A_545 : vector<16xf32>
      %min3A_547 = arith.minimumf %add3A_540, %scan3A_476#4 : vector<16xf32>
      %max3A_548 = arith.maximumf %sub3A_532, %scan3A_476#2 : vector<16xf32>
      %sub3A_549 = arith.subf %min3A_547, %max3A_548 : vector<16xf32>
      %max3A_550 = arith.constant 0.000000e+00 : f32
      %max3A_551 = vector.broadcast %max3A_550 : f32 to vector<16xf32>
      %max3A_552 = arith.maximumf %sub3A_549, %max3A_551 : vector<16xf32>
      %mul3A_553 = arith.mulf %max3A_546, %max3A_552 : vector<16xf32>
      %sub3A_554 = arith.subf %add3A_536, %sub3A_528 : vector<16xf32>
      %sub3A_555 = arith.subf %add3A_540, %sub3A_532 : vector<16xf32>
      %mul3A_556 = arith.mulf %sub3A_554, %sub3A_555 : vector<16xf32>
      %sub3A_557 = arith.subf %scan3A_476#3, %scan3A_476#1 : vector<16xf32>
      %sub3A_558 = arith.subf %scan3A_476#4, %scan3A_476#2 : vector<16xf32>
      %mul3A_559 = arith.mulf %sub3A_557, %sub3A_558 : vector<16xf32>
      %add3A_560 = arith.addf %mul3A_556, %mul3A_559 : vector<16xf32>
      %sub3A_561 = arith.subf %add3A_560, %mul3A_553 : vector<16xf32>
      %mul3A_562 = arith.constant 1.000000e-01 : f32
      %mul3A_563 = vector.broadcast %mul3A_562 : f32 to vector<16xf32>
      %mul3A_564 = arith.mulf %mul3A_563, %sub3A_561 : vector<16xf32>
      %add3A_565 = arith.addf %mul3A_553, %mul3A_564 : vector<16xf32>
      %div3A_566 = arith.divf %sub3A_561, %add3A_565 : vector<16xf32>
      %bitcast_convert_type3A_567 = tpu.bitcast %div3A_566 : vector<16xf32> -> vector<16xi32>
      %shift_right_arithmetic3A_568 = arith.constant 23 : i32
      %shift_right_arithmetic3A_569 = vector.broadcast %shift_right_arithmetic3A_568 : i32 to vector<16xi32>
      %shift_right_arithmetic3A_570 = arith.shrsi %bitcast_convert_type3A_567, %shift_right_arithmetic3A_569 : vector<16xi32>
      %and3A_571 = arith.constant 255 : i32
      %and3A_572 = vector.broadcast %and3A_571 : i32 to vector<16xi32>
      %and3A_573 = arith.andi %shift_right_arithmetic3A_570, %and3A_572 : vector<16xi32>
      %sub3A_574 = arith.constant 127 : i32
      %sub3A_575 = vector.broadcast %sub3A_574 : i32 to vector<16xi32>
      %sub3A_576 = arith.subi %and3A_573, %sub3A_575 : vector<16xi32>
      %and3A_577 = arith.constant 8388607 : i32
      %and3A_578 = vector.broadcast %and3A_577 : i32 to vector<16xi32>
      %and3A_579 = arith.andi %bitcast_convert_type3A_567, %and3A_578 : vector<16xi32>
      %or3A_580 = arith.constant 1065353216 : i32
      %or3A_581 = vector.broadcast %or3A_580 : i32 to vector<16xi32>
      %or3A_582 = arith.ori %and3A_579, %or3A_581 : vector<16xi32>
      %bitcast_convert_type3A_583 = tpu.bitcast %or3A_582 : vector<16xi32> -> vector<16xf32>
      %gt3A_584 = arith.constant 1.41421354 : f32
      %gt3A_585 = vector.broadcast %gt3A_584 : f32 to vector<16xf32>
      %gt3A_586 = arith.cmpf ogt, %bitcast_convert_type3A_583, %gt3A_585 : vector<16xf32>
      %mul3A_587 = arith.constant 5.000000e-01 : f32
      %mul3A_588 = vector.broadcast %mul3A_587 : f32 to vector<16xf32>
      %mul3A_589 = arith.mulf %bitcast_convert_type3A_583, %mul3A_588 : vector<16xf32>
      %select_n3A_590 = arith.select %gt3A_586, %mul3A_589, %bitcast_convert_type3A_583 : vector<16xi1>, vector<16xf32>
      %jit3A_591 = arith.constant 1 : i32
      %jit3A_592 = arith.constant 0 : i32
      %broadcast_in_dim3A_593 = vector.broadcast %jit3A_591 : i32 to vector<16xi32>
      %broadcast_in_dim3A_594 = vector.broadcast %jit3A_592 : i32 to vector<16xi32>
      %select_n3A_595 = arith.select %gt3A_586, %broadcast_in_dim3A_593, %broadcast_in_dim3A_594 : vector<16xi1>, vector<16xi32>
      %add3A_596 = arith.addi %sub3A_576, %select_n3A_595 : vector<16xi32>
      %convert_element_type3A_597 = arith.sitofp %add3A_596 : vector<16xi32> to vector<16xf32>
      %sub3A_598 = arith.constant 1.000000e+00 : f32
      %sub3A_599 = vector.broadcast %sub3A_598 : f32 to vector<16xf32>
      %sub3A_600 = arith.subf %select_n3A_590, %sub3A_599 : vector<16xf32>
      %add3A_601 = arith.constant 1.000000e+00 : f32
      %add3A_602 = vector.broadcast %add3A_601 : f32 to vector<16xf32>
      %add3A_603 = arith.addf %select_n3A_590, %add3A_602 : vector<16xf32>
      %div3A_604 = arith.divf %sub3A_600, %add3A_603 : vector<16xf32>
      %mul3A_605 = arith.mulf %div3A_604, %div3A_604 : vector<16xf32>
      %mul3A_606 = arith.constant 2.000000e+00 : f32
      %mul3A_607 = vector.broadcast %mul3A_606 : f32 to vector<16xf32>
      %mul3A_608 = arith.mulf %mul3A_607, %div3A_604 : vector<16xf32>
      %mul3A_609 = arith.constant 0.142857149 : f32
      %mul3A_610 = vector.broadcast %mul3A_609 : f32 to vector<16xf32>
      %mul3A_611 = arith.mulf %mul3A_605, %mul3A_610 : vector<16xf32>
      %add3A_612 = arith.constant 2.000000e-01 : f32
      %add3A_613 = vector.broadcast %add3A_612 : f32 to vector<16xf32>
      %add3A_614 = arith.addf %add3A_613, %mul3A_611 : vector<16xf32>
      %mul3A_615 = arith.mulf %mul3A_605, %add3A_614 : vector<16xf32>
      %add3A_616 = arith.constant 0.333333343 : f32
      %add3A_617 = vector.broadcast %add3A_616 : f32 to vector<16xf32>
      %add3A_618 = arith.addf %add3A_617, %mul3A_615 : vector<16xf32>
      %mul3A_619 = arith.mulf %mul3A_605, %add3A_618 : vector<16xf32>
      %add3A_620 = arith.constant 1.000000e+00 : f32
      %add3A_621 = vector.broadcast %add3A_620 : f32 to vector<16xf32>
      %add3A_622 = arith.addf %add3A_621, %mul3A_619 : vector<16xf32>
      %mul3A_623 = arith.mulf %mul3A_608, %add3A_622 : vector<16xf32>
      %mul3A_624 = arith.constant 0.693147182 : f32
      %mul3A_625 = vector.broadcast %mul3A_624 : f32 to vector<16xf32>
      %mul3A_626 = arith.mulf %convert_element_type3A_597, %mul3A_625 : vector<16xf32>
      %add3A_627 = arith.addf %mul3A_626, %mul3A_623 : vector<16xf32>
      %jit3A_628 = arith.constant 0.000000e+00 : f32
      %broadcast_in_dim3A_629 = vector.broadcast %jit3A_628 : f32 to vector<16xf32>
      %select_n3A_630 = arith.select %gt3A_480, %add3A_627, %broadcast_in_dim3A_629 : vector<16xi1>, vector<16xf32>
      %jit3A_631 = arith.constant 1.000000e+00 : f32
      %jit3A_632 = arith.constant 0.000000e+00 : f32
      %broadcast_in_dim3A_633 = vector.broadcast %jit3A_631 : f32 to vector<16xf32>
      %broadcast_in_dim3A_634 = vector.broadcast %jit3A_632 : f32 to vector<16xf32>
      %select_n3A_635 = arith.select %gt3A_480, %broadcast_in_dim3A_633, %broadcast_in_dim3A_634 : vector<16xi1>, vector<16xf32>
      %max3A_636 = arith.constant 0.000000e+00 : f32
      %max3A_637 = vector.broadcast %max3A_636 : f32 to vector<16xf32>
      %max3A_638 = arith.maximumf %sub3A_528, %max3A_637 : vector<16xf32>
      %min3A_639 = arith.minimumf %max3A_638, %get3A_29 : vector<16xf32>
      %max3A_640 = arith.constant 0.000000e+00 : f32
      %max3A_641 = vector.broadcast %max3A_640 : f32 to vector<16xf32>
      %max3A_642 = arith.maximumf %sub3A_532, %max3A_641 : vector<16xf32>
      %min3A_643 = arith.minimumf %max3A_642, %get3A_34 : vector<16xf32>
      %max3A_644 = arith.constant 0.000000e+00 : f32
      %max3A_645 = vector.broadcast %max3A_644 : f32 to vector<16xf32>
      %max3A_646 = arith.maximumf %add3A_536, %max3A_645 : vector<16xf32>
      %min3A_647 = arith.minimumf %max3A_646, %get3A_29 : vector<16xf32>
      %max3A_648 = arith.constant 0.000000e+00 : f32
      %max3A_649 = vector.broadcast %max3A_648 : f32 to vector<16xf32>
      %max3A_650 = arith.maximumf %add3A_540, %max3A_649 : vector<16xf32>
      %min3A_651 = arith.minimumf %max3A_650, %get3A_34 : vector<16xf32>
      %gt3A_652 = arith.constant 0.333333343 : f32
      %gt3A_653 = vector.broadcast %gt3A_652 : f32 to vector<16xf32>
      %gt3A_654 = arith.cmpf ogt, %scan3A_476#5, %gt3A_653 : vector<16xf32>
      %get3A_655 = arith.constant 4 : i32
      %get3A_656 = arith.index_cast %get3A_655 : i32 to index
      %get3A_657 = arith.index_cast %add3A_74 : i32 to index
      %get3A_658 = tpu.vector_load %arg8[%get3A_656, %get3A_657] {strides = array<i32>} : memref<8x640xf32, #tpu.memory_space<vmem>>, vector<1x16xf32>,
      %get3A_659 = vector.shape_cast %get3A_658 : vector<1x16xf32> to vector<16xf32>
      %get3A_660 = arith.constant 5 : i32
      %get3A_661 = arith.index_cast %get3A_660 : i32 to index
      %get3A_662 = arith.index_cast %add3A_74 : i32 to index
      %get3A_663 = tpu.vector_load %arg8[%get3A_661, %get3A_662] {strides = array<i32>} : memref<8x640xf32, #tpu.memory_space<vmem>>, vector<1x16xf32>,
      %get3A_664 = vector.shape_cast %get3A_663 : vector<1x16xf32> to vector<16xf32>
      %get3A_665 = arith.constant 6 : i32
      %get3A_666 = arith.index_cast %get3A_665 : i32 to index
      %get3A_667 = arith.index_cast %add3A_74 : i32 to index
      %get3A_668 = tpu.vector_load %arg8[%get3A_666, %get3A_667] {strides = array<i32>} : memref<8x640xf32, #tpu.memory_space<vmem>>, vector<1x16xf32>,
      %get3A_669 = vector.shape_cast %get3A_668 : vector<1x16xf32> to vector<16xf32>
      %get3A_670 = arith.constant 7 : i32
      %get3A_671 = arith.index_cast %get3A_670 : i32 to index
      %get3A_672 = arith.index_cast %add3A_74 : i32 to index
      %get3A_673 = tpu.vector_load %arg8[%get3A_671, %get3A_672] {strides = array<i32>} : memref<8x640xf32, #tpu.memory_space<vmem>>, vector<1x16xf32>,
      %get3A_674 = vector.shape_cast %get3A_673 : vector<1x16xf32> to vector<16xf32>
      %sub3A_675 = arith.subf %min3A_459, %min3A_451 : vector<16xf32>
      %add3A_676 = arith.constant 1.000000e+00 : f32
      %add3A_677 = vector.broadcast %add3A_676 : f32 to vector<16xf32>
      %add3A_678 = arith.addf %sub3A_675, %add3A_677 : vector<16xf32>
      %sub3A_679 = arith.subf %min3A_463, %min3A_455 : vector<16xf32>
      %add3A_680 = arith.constant 1.000000e+00 : f32
      %add3A_681 = vector.broadcast %add3A_680 : f32 to vector<16xf32>
      %add3A_682 = arith.addf %sub3A_679, %add3A_681 : vector<16xf32>
      %mul3A_683 = arith.constant 5.000000e-01 : f32
      %mul3A_684 = vector.broadcast %mul3A_683 : f32 to vector<16xf32>
      %mul3A_685 = arith.mulf %mul3A_684, %add3A_678 : vector<16xf32>
      %add3A_686 = arith.addf %min3A_451, %mul3A_685 : vector<16xf32>
      %mul3A_687 = arith.constant 5.000000e-01 : f32
      %mul3A_688 = vector.broadcast %mul3A_687 : f32 to vector<16xf32>
      %mul3A_689 = arith.mulf %mul3A_688, %add3A_682 : vector<16xf32>
      %add3A_690 = arith.addf %min3A_455, %mul3A_689 : vector<16xf32>
      %mul3A_691 = arith.mulf %get3A_659, %add3A_678 : vector<16xf32>
      %add3A_692 = arith.addf %mul3A_691, %add3A_686 : vector<16xf32>
      %mul3A_693 = arith.mulf %get3A_664, %add3A_682 : vector<16xf32>
      %add3A_694 = arith.addf %mul3A_693, %add3A_690 : vector<16xf32>
      %exp3A_695 = math.exp %get3A_669 : vector<16xf32>
      %mul3A_696 = arith.mulf %exp3A_695, %add3A_678 : vector<16xf32>
      %exp3A_697 = math.exp %get3A_674 : vector<16xf32>
      %mul3A_698 = arith.mulf %exp3A_697, %add3A_682 : vector<16xf32>
      %mul3A_699 = arith.constant 5.000000e-01 : f32
      %mul3A_700 = vector.broadcast %mul3A_699 : f32 to vector<16xf32>
      %mul3A_701 = arith.mulf %mul3A_700, %mul3A_696 : vector<16xf32>
      %sub3A_702 = arith.subf %add3A_692, %mul3A_701 : vector<16xf32>
      %mul3A_703 = arith.constant 5.000000e-01 : f32
      %mul3A_704 = vector.broadcast %mul3A_703 : f32 to vector<16xf32>
      %mul3A_705 = arith.mulf %mul3A_704, %mul3A_698 : vector<16xf32>
      %sub3A_706 = arith.subf %add3A_694, %mul3A_705 : vector<16xf32>
      %mul3A_707 = arith.constant 5.000000e-01 : f32
      %mul3A_708 = vector.broadcast %mul3A_707 : f32 to vector<16xf32>
      %mul3A_709 = arith.mulf %mul3A_708, %mul3A_696 : vector<16xf32>
      %add3A_710 = arith.addf %add3A_692, %mul3A_709 : vector<16xf32>
      %mul3A_711 = arith.constant 5.000000e-01 : f32
      %mul3A_712 = vector.broadcast %mul3A_711 : f32 to vector<16xf32>
      %mul3A_713 = arith.mulf %mul3A_712, %mul3A_698 : vector<16xf32>
      %add3A_714 = arith.addf %add3A_694, %mul3A_713 : vector<16xf32>
      %min3A_715 = arith.minimumf %add3A_710, %scan3A_476#8 : vector<16xf32>
      %max3A_716 = arith.maximumf %sub3A_702, %scan3A_476#6 : vector<16xf32>
      %sub3A_717 = arith.subf %min3A_715, %max3A_716 : vector<16xf32>
      %max3A_718 = arith.constant 0.000000e+00 : f32
      %max3A_719 = vector.broadcast %max3A_718 : f32 to vector<16xf32>
      %max3A_720 = arith.maximumf %sub3A_717, %max3A_719 : vector<16xf32>
      %min3A_721 = arith.minimumf %add3A_714, %scan3A_476#9 : vector<16xf32>
      %max3A_722 = arith.maximumf %sub3A_706, %scan3A_476#7 : vector<16xf32>
      %sub3A_723 = arith.subf %min3A_721, %max3A_722 : vector<16xf32>
      %max3A_724 = arith.constant 0.000000e+00 : f32
      %max3A_725 = vector.broadcast %max3A_724 : f32 to vector<16xf32>
      %max3A_726 = arith.maximumf %sub3A_723, %max3A_725 : vector<16xf32>
      %mul3A_727 = arith.mulf %max3A_720, %max3A_726 : vector<16xf32>
      %sub3A_728 = arith.subf %add3A_710, %sub3A_702 : vector<16xf32>
      %sub3A_729 = arith.subf %add3A_714, %sub3A_706 : vector<16xf32>
      %mul3A_730 = arith.mulf %sub3A_728, %sub3A_729 : vector<16xf32>
      %sub3A_731 = arith.subf %scan3A_476#8, %scan3A_476#6 : vector<16xf32>
      %sub3A_732 = arith.subf %scan3A_476#9, %scan3A_476#7 : vector<16xf32>
      %mul3A_733 = arith.mulf %sub3A_731, %sub3A_732 : vector<16xf32>
      %add3A_734 = arith.addf %mul3A_730, %mul3A_733 : vector<16xf32>
      %sub3A_735 = arith.subf %add3A_734, %mul3A_727 : vector<16xf32>
      %mul3A_736 = arith.constant 1.000000e-01 : f32
      %mul3A_737 = vector.broadcast %mul3A_736 : f32 to vector<16xf32>
      %mul3A_738 = arith.mulf %mul3A_737, %sub3A_735 : vector<16xf32>
      %add3A_739 = arith.addf %mul3A_727, %mul3A_738 : vector<16xf32>
      %div3A_740 = arith.divf %sub3A_735, %add3A_739 : vector<16xf32>
      %bitcast_convert_type3A_741 = tpu.bitcast %div3A_740 : vector<16xf32> -> vector<16xi32>
      %shift_right_arithmetic3A_742 = arith.constant 23 : i32
      %shift_right_arithmetic3A_743 = vector.broadcast %shift_right_arithmetic3A_742 : i32 to vector<16xi32>
      %shift_right_arithmetic3A_744 = arith.shrsi %bitcast_convert_type3A_741, %shift_right_arithmetic3A_743 : vector<16xi32>
      %and3A_745 = arith.constant 255 : i32
      %and3A_746 = vector.broadcast %and3A_745 : i32 to vector<16xi32>
      %and3A_747 = arith.andi %shift_right_arithmetic3A_744, %and3A_746 : vector<16xi32>
      %sub3A_748 = arith.constant 127 : i32
      %sub3A_749 = vector.broadcast %sub3A_748 : i32 to vector<16xi32>
      %sub3A_750 = arith.subi %and3A_747, %sub3A_749 : vector<16xi32>
      %and3A_751 = arith.constant 8388607 : i32
      %and3A_752 = vector.broadcast %and3A_751 : i32 to vector<16xi32>
      %and3A_753 = arith.andi %bitcast_convert_type3A_741, %and3A_752 : vector<16xi32>
      %or3A_754 = arith.constant 1065353216 : i32
      %or3A_755 = vector.broadcast %or3A_754 : i32 to vector<16xi32>
      %or3A_756 = arith.ori %and3A_753, %or3A_755 : vector<16xi32>
      %bitcast_convert_type3A_757 = tpu.bitcast %or3A_756 : vector<16xi32> -> vector<16xf32>
      %gt3A_758 = arith.constant 1.41421354 : f32
      %gt3A_759 = vector.broadcast %gt3A_758 : f32 to vector<16xf32>
      %gt3A_760 = arith.cmpf ogt, %bitcast_convert_type3A_757, %gt3A_759 : vector<16xf32>
      %mul3A_761 = arith.constant 5.000000e-01 : f32
      %mul3A_762 = vector.broadcast %mul3A_761 : f32 to vector<16xf32>
      %mul3A_763 = arith.mulf %bitcast_convert_type3A_757, %mul3A_762 : vector<16xf32>
      %select_n3A_764 = arith.select %gt3A_760, %mul3A_763, %bitcast_convert_type3A_757 : vector<16xi1>, vector<16xf32>
      %jit3A_765 = arith.constant 1 : i32
      %jit3A_766 = arith.constant 0 : i32
      %broadcast_in_dim3A_767 = vector.broadcast %jit3A_765 : i32 to vector<16xi32>
      %broadcast_in_dim3A_768 = vector.broadcast %jit3A_766 : i32 to vector<16xi32>
      %select_n3A_769 = arith.select %gt3A_760, %broadcast_in_dim3A_767, %broadcast_in_dim3A_768 : vector<16xi1>, vector<16xi32>
      %add3A_770 = arith.addi %sub3A_750, %select_n3A_769 : vector<16xi32>
      %convert_element_type3A_771 = arith.sitofp %add3A_770 : vector<16xi32> to vector<16xf32>
      %sub3A_772 = arith.constant 1.000000e+00 : f32
      %sub3A_773 = vector.broadcast %sub3A_772 : f32 to vector<16xf32>
      %sub3A_774 = arith.subf %select_n3A_764, %sub3A_773 : vector<16xf32>
      %add3A_775 = arith.constant 1.000000e+00 : f32
      %add3A_776 = vector.broadcast %add3A_775 : f32 to vector<16xf32>
      %add3A_777 = arith.addf %select_n3A_764, %add3A_776 : vector<16xf32>
      %div3A_778 = arith.divf %sub3A_774, %add3A_777 : vector<16xf32>
      %mul3A_779 = arith.mulf %div3A_778, %div3A_778 : vector<16xf32>
      %mul3A_780 = arith.constant 2.000000e+00 : f32
      %mul3A_781 = vector.broadcast %mul3A_780 : f32 to vector<16xf32>
      %mul3A_782 = arith.mulf %mul3A_781, %div3A_778 : vector<16xf32>
      %mul3A_783 = arith.constant 0.142857149 : f32
      %mul3A_784 = vector.broadcast %mul3A_783 : f32 to vector<16xf32>
      %mul3A_785 = arith.mulf %mul3A_779, %mul3A_784 : vector<16xf32>
      %add3A_786 = arith.constant 2.000000e-01 : f32
      %add3A_787 = vector.broadcast %add3A_786 : f32 to vector<16xf32>
      %add3A_788 = arith.addf %add3A_787, %mul3A_785 : vector<16xf32>
      %mul3A_789 = arith.mulf %mul3A_779, %add3A_788 : vector<16xf32>
      %add3A_790 = arith.constant 0.333333343 : f32
      %add3A_791 = vector.broadcast %add3A_790 : f32 to vector<16xf32>
      %add3A_792 = arith.addf %add3A_791, %mul3A_789 : vector<16xf32>
      %mul3A_793 = arith.mulf %mul3A_779, %add3A_792 : vector<16xf32>
      %add3A_794 = arith.constant 1.000000e+00 : f32
      %add3A_795 = vector.broadcast %add3A_794 : f32 to vector<16xf32>
      %add3A_796 = arith.addf %add3A_795, %mul3A_793 : vector<16xf32>
      %mul3A_797 = arith.mulf %mul3A_782, %add3A_796 : vector<16xf32>
      %mul3A_798 = arith.constant 0.693147182 : f32
      %mul3A_799 = vector.broadcast %mul3A_798 : f32 to vector<16xf32>
      %mul3A_800 = arith.mulf %convert_element_type3A_771, %mul3A_799 : vector<16xf32>
      %add3A_801 = arith.addf %mul3A_800, %mul3A_797 : vector<16xf32>
      %jit3A_802 = arith.constant 0.000000e+00 : f32
      %broadcast_in_dim3A_803 = vector.broadcast %jit3A_802 : f32 to vector<16xf32>
      %select_n3A_804 = arith.select %gt3A_654, %add3A_801, %broadcast_in_dim3A_803 : vector<16xi1>, vector<16xf32>
      %jit3A_805 = arith.constant 1.000000e+00 : f32
      %jit3A_806 = arith.constant 0.000000e+00 : f32
      %broadcast_in_dim3A_807 = vector.broadcast %jit3A_805 : f32 to vector<16xf32>
      %broadcast_in_dim3A_808 = vector.broadcast %jit3A_806 : f32 to vector<16xf32>
      %select_n3A_809 = arith.select %gt3A_654, %broadcast_in_dim3A_807, %broadcast_in_dim3A_808 : vector<16xi1>, vector<16xf32>
      %max3A_810 = arith.constant 0.000000e+00 : f32
      %max3A_811 = vector.broadcast %max3A_810 : f32 to vector<16xf32>
      %max3A_812 = arith.maximumf %sub3A_702, %max3A_811 : vector<16xf32>
      %min3A_813 = arith.minimumf %max3A_812, %get3A_29 : vector<16xf32>
      %max3A_814 = arith.constant 0.000000e+00 : f32
      %max3A_815 = vector.broadcast %max3A_814 : f32 to vector<16xf32>
      %max3A_816 = arith.maximumf %sub3A_706, %max3A_815 : vector<16xf32>
      %min3A_817 = arith.minimumf %max3A_816, %get3A_34 : vector<16xf32>
      %max3A_818 = arith.constant 0.000000e+00 : f32
      %max3A_819 = vector.broadcast %max3A_818 : f32 to vector<16xf32>
      %max3A_820 = arith.maximumf %add3A_710, %max3A_819 : vector<16xf32>
      %min3A_821 = arith.minimumf %max3A_820, %get3A_29 : vector<16xf32>
      %max3A_822 = arith.constant 0.000000e+00 : f32
      %max3A_823 = vector.broadcast %max3A_822 : f32 to vector<16xf32>
      %max3A_824 = arith.maximumf %add3A_714, %max3A_823 : vector<16xf32>
      %min3A_825 = arith.minimumf %max3A_824, %get3A_34 : vector<16xf32>
      %add3A_826 = arith.addf %scan3A_65, %select_n3A_268 : vector<16xf32>
      %add3A_827 = arith.addf %add3A_826, %select_n3A_442 : vector<16xf32>
      %add3A_828 = arith.addf %scan3A_66, %select_n3A_273 : vector<16xf32>
      %add3A_829 = arith.addf %add3A_828, %select_n3A_447 : vector<16xf32>
      %add3A_830 = arith.addf %scan3A_67, %select_n3A_630 : vector<16xf32>
      %add3A_831 = arith.addf %add3A_830, %select_n3A_804 : vector<16xf32>
      %add3A_832 = arith.addf %scan3A_68, %select_n3A_635 : vector<16xf32>
      %add3A_833 = arith.addf %add3A_832, %select_n3A_809 : vector<16xf32>
      scf.yield %add3A_827, %add3A_829, %add3A_831, %add3A_833 : vector<16xf32>, vector<16xf32>, vector<16xf32>, vector<16xf32>
    }
    %scan3A_40 = arith.constant 20 : i32
    %swap3A = arith.constant 0 : i32
    %swap3A_41 = arith.index_cast %swap3A : i32 to index
    %swap3A_42 = arith.constant 0 : index
    %swap3A_43 = tpu.vector_load %arg11[%swap3A_41, %swap3A_42] {strides = array<i32>} : memref<4x16xf32, #tpu.memory_space<vmem>>, vector<1x16xf32>,
    %swap3A_44 = vector.shape_cast %swap3A_43 : vector<1x16xf32> to vector<16xf32>
    %swap3A_45 = vector.shape_cast %scan3A_39#0 : vector<16xf32> to vector<1x16xf32>
    tpu.vector_store %arg11[%swap3A_41, %swap3A_42], %swap3A_45 {strides = array<i32>} : memref<4x16xf32, #tpu.memory_space<vmem>>, vector<1x16xf32>,
    %swap3A_46 = arith.constant 1 : i32
    %swap3A_47 = arith.index_cast %swap3A_46 : i32 to index
    %swap3A_48 = arith.constant 0 : index
    %swap3A_49 = tpu.vector_load %arg11[%swap3A_47, %swap3A_48] {strides = array<i32>} : memref<4x16xf32, #tpu.memory_space<vmem>>, vector<1x16xf32>,
    %swap3A_50 = vector.shape_cast %swap3A_49 : vector<1x16xf32> to vector<16xf32>
    %swap3A_51 = vector.shape_cast %scan3A_39#1 : vector<16xf32> to vector<1x16xf32>
    tpu.vector_store %arg11[%swap3A_47, %swap3A_48], %swap3A_51 {strides = array<i32>} : memref<4x16xf32, #tpu.memory_space<vmem>>, vector<1x16xf32>,
    %swap3A_52 = arith.constant 2 : i32
    %swap3A_53 = arith.index_cast %swap3A_52 : i32 to index
    %swap3A_54 = arith.constant 0 : index
    %swap3A_55 = tpu.vector_load %arg11[%swap3A_53, %swap3A_54] {strides = array<i32>} : memref<4x16xf32, #tpu.memory_space<vmem>>, vector<1x16xf32>,
    %swap3A_56 = vector.shape_cast %swap3A_55 : vector<1x16xf32> to vector<16xf32>
    %swap3A_57 = vector.shape_cast %scan3A_39#2 : vector<16xf32> to vector<1x16xf32>
    tpu.vector_store %arg11[%swap3A_53, %swap3A_54], %swap3A_57 {strides = array<i32>} : memref<4x16xf32, #tpu.memory_space<vmem>>, vector<1x16xf32>,
    %swap3A_58 = arith.constant 3 : i32
    %swap3A_59 = arith.index_cast %swap3A_58 : i32 to index
    %swap3A_60 = arith.constant 0 : index
    %swap3A_61 = tpu.vector_load %arg11[%swap3A_59, %swap3A_60] {strides = array<i32>} : memref<4x16xf32, #tpu.memory_space<vmem>>, vector<1x16xf32>,
    %swap3A_62 = vector.shape_cast %swap3A_61 : vector<1x16xf32> to vector<16xf32>
    %swap3A_63 = vector.shape_cast %scan3A_39#3 : vector<16xf32> to vector<1x16xf32>
    tpu.vector_store %arg11[%swap3A_59, %swap3A_60], %swap3A_63 {strides = array<i32>} : memref<4x16xf32, #tpu.memory_space<vmem>>, vector<1x16xf32>,
    "tpu.region"() ({
      %run_scoped3A_64 = tpu.sem_alloc : memref<!tpu.dma_semaphore, #tpu.memory_space<semaphore_mem>>
      %dma_start3A = arith.constant 0 : i32
      %dma_start3A_65 = arith.constant 0 : i32
      %dma_start3A_66 = tpu.memref_slice %arg6[%add3A, %dma_start3A, %dma_start3A_65] : memref<32x4x16xf32, #tpu.memory_space<hbm>> -> memref<1x4x16xf32, #tpu.memory_space<hbm>>
      %dma_start3A_67 = tpu.memref_squeeze %dma_start3A_66 : memref<1x4x16xf32, #tpu.memory_space<hbm>> -> memref<4x16xf32, #tpu.memory_space<hbm>>
      %dma_start3A_68 = arith.constant 0 : i32
      %dma_start3A_69 = arith.constant 0 : i32
      %dma_start3A_70 = tpu.memref_slice %arg6[%add3A, %dma_start3A_68, %dma_start3A_69] : memref<32x4x16xf32, #tpu.memory_space<hbm>> -> memref<1x4x16xf32, #tpu.memory_space<hbm>>
      %dma_start3A_71 = tpu.memref_squeeze %dma_start3A_70 : memref<1x4x16xf32, #tpu.memory_space<hbm>> -> memref<4x16xf32, #tpu.memory_space<hbm>>
      tpu.enqueue_dma source(%arg11 : memref<4x16xf32, #tpu.memory_space<vmem>>) target(%dma_start3A_71 : memref<4x16xf32, #tpu.memory_space<hbm>>) target_semaphore(%run_scoped3A_64 : memref<!tpu.dma_semaphore, #tpu.memory_space<semaphore_mem>>)
      %dma_wait3A = arith.constant 0 : i32
      %dma_wait3A_72 = arith.constant 0 : i32
      %dma_wait3A_73 = tpu.memref_slice %arg6[%add3A, %dma_wait3A, %dma_wait3A_72] : memref<32x4x16xf32, #tpu.memory_space<hbm>> -> memref<1x4x16xf32, #tpu.memory_space<hbm>>
      %dma_wait3A_74 = tpu.memref_squeeze %dma_wait3A_73 : memref<1x4x16xf32, #tpu.memory_space<hbm>> -> memref<4x16xf32, #tpu.memory_space<hbm>>
      %dma_wait3A_75 = arith.constant 0 : i32
      %dma_wait3A_76 = arith.constant 0 : i32
      %dma_wait3A_77 = tpu.memref_slice %arg6[%add3A, %dma_wait3A_75, %dma_wait3A_76] : memref<32x4x16xf32, #tpu.memory_space<hbm>> -> memref<1x4x16xf32, #tpu.memory_space<hbm>>
      %dma_wait3A_78 = tpu.memref_squeeze %dma_wait3A_77 : memref<1x4x16xf32, #tpu.memory_space<hbm>> -> memref<4x16xf32, #tpu.memory_space<hbm>>
      tpu.wait_dma2 semaphore(%run_scoped3A_64 : memref<!tpu.dma_semaphore, #tpu.memory_space<semaphore_mem>>) src(%arg11 : memref<4x16xf32, #tpu.memory_space<vmem>>) dst(%dma_wait3A_78 : memref<4x16xf32, #tpu.memory_space<hbm>>)
      tpu.yield
    }) : () -> ()
    return
  }
}

</mosaic_0001>

<sc_bundles>
// kernel: kernel.3.cloned.1.call-start
scs
__scs_entry_jumppad:
0x0: {  	(pc) =	sbr.rel $0x88, $3  }
0x1: {  	(tag) =	ssettag $0x0;
	lr =	simm.s32 $0x1  }
0x2: {  	[smem:$0x3F9C] =	sst lr;
	_ =	strace $0xD0000000  }
0x3: {  	_ = 	snop  }
0x4: {  	_ = 	snop  }
0x5: {  	_ = 	snop  }
0x6: {  	_ = 	snop  }
0x7: {  	_ = 	snop  }
__scs_overlays_trampoline_lowered:
0x8: {  	[smem:$0x3FAB] =	sst s0  }
0x9: {  	[smem:$0x3FAC] =	sst s1  }
0xa: {  	[smem:$0x3FAD] =	sst s2  }
0xb: {  	[smem:$0x3FAE] =	sst s3  }
0xc: {  	[smem:$0x3FAF] =	sst s4  }
0xd: {  	[smem:$0x3FB0] =	sst s5  }
0xe: {  	[smem:$0x3FB1] =	sst s6  }
0xf: {  	[smem:$0x3FB2] =	sst s7  }
0x10: {  	[smem:$0x3FB3] =	sst s8  }
0x11: {  	[smem:$0x3FB4] =	sst s9;
	s0 =	simm.s32 @!p0 $0x0  }
0x12: {  	s1 =	sld [smem:$0x3F9A];
	s0 =	simm.s32 @p0 $0x1  }
0x13: {  	[smem:$0x3FB5] =	sst s0;
	s0 =	simm.s32 @!p1 $0x0  }
0x14: {  	s2 =	sld [smem:$0x3F99];
	s0 =	simm.s32 @p1 $0x1  }
0x15: {  	[smem:$0x3FB6] =	sst s0;
	s0 =	simm.s32 @!p2 $0x0  }
0x16: {  	s3 =	sld [smem:$0x3FDB];
	s0 =	simm.s32 @p2 $0x1  }
0x17: {  	s4 =	simm.s32 $0x1BF5;
	[smem:$0x3FB8] =	sst s0  }
0x18: {  	s0 =	sld [smem:$0x3F9B];
	_ =	swait.ge [sflag:s4], $0x0  }
0x19: {  	s7 =	sld [smem:$0x3F9C]  }
0x1a: {  	s8 =	sadd.s32 $0xFFFFE003, lr  }
0x1b: {  	s9 =	sadd.s32 $0xFFFFFEF7, lr;
	s5 =	simm.s32 $0xFFFFFFFF;
	p2 =	slt.u32 s8, $0xFFFFF086  }
0x1c: {  	p1 =	slt.u32 s9, $0xF7A;
	s5 =	simm.s32 @!p2 $0x0  }
0x1d: {  	s5 =	simm.s32 @p1 $0x1;
	p0 =	seq.s32 s7, s2  }
0x1e: {  	s7 =	smul.u32 @!p0 $0xF7A, s2;
	p2 =	seq.s32 @!p0 s5, $0x0  }
0x1f: {  	s9 =	smul.u32 $0xF7A, s1;
	s8 =	simm.s32 @!p0 $0x1BF5;
	p2 =	por !p2, p0  }
0x20: {  	[sflag:s8] =	ssyncset.s32 @!p0 $0xFFFFF086;
	s6 =	sadd.s32 @!p0 s3, s7;
	s7 =	simm.s32 @!p0 $0x108  }
0x21: {  	s3 =	sadd.s32 s3, s9;
	s6 =	sadd.s32 @!p0 $0x88, s6;
	s7 =	simm.s32 @p2 $0x1082  }
0x22: {  	[simem:s7], [sflag:s8] =	dma.local @!p0 [hbm:s6], $0xF7A  }
0x23: {  	s9 =	sor.u32 $0xD0000000, s2;
	s6 =	simm.s32 $0x108;
	_ =	swait.ge @!p0 [sflag:s8], $0x0  }
0x24: {  	s3 =	sadd.s32 $0x88, s3;
	s6 =	simm.s32 @!p1 $0x1082;
	[sflag:s4] =	ssyncset.s32 $0xFFFFF086  }
0x25: {  	[simem:s6], [sflag:s4] =	dma.local [hbm:s3], $0xF7A  }
0x26: {  	[smem:$0x3F9C] =	sst s1;
	(tag) =	ssettag s2;
	_ =	strace s9  }
0x27: {  	s1 =	sld [smem:$0x3FAC]  }
0x28: {  	s2 =	sld [smem:$0x3FAD]  }
0x29: {  	s4 =	sld [smem:$0x3FAF]  }
0x2a: {  	p0 =	seq.s32 s5, $0x0;
	s5 =	sld [smem:$0x3FB0]  }
0x2b: {  	s6 =	sld [smem:$0x3FB1]  }
0x2c: {  	s7 =	sld [smem:$0x3FB2]  }
0x2d: {  	s3 =	simm.s32 $0x108;
	s8 =	sld [smem:$0x3FB3]  }
0x2e: {  	s3 =	simm.s32 @!p0 $0x1082;
	s9 =	sld [smem:$0x3FB4]  }
0x2f: {  	lr =	sadd.s32 s0, s3;
	s0 =	sld [smem:$0x3FAB]  }
0x30: {  	s3 =	sld [smem:$0x3FAE]  }
0x31: {  	[smem:$0x3FB7] =	sst s10  }
0x32: {  	s10 =	sld [smem:$0x3FB5];
	_ =	sdelay $0x3  }
0x33: {  	p0 =	seq.s32 s10, $0x1;
	s10 =	sld [smem:$0x3FB7];
	_ =	sdelay $0x3  }
0x34: {  	[smem:$0x3FB7] =	sst s10  }
0x35: {  	s10 =	sld [smem:$0x3FB6];
	_ =	sdelay $0x3  }
0x36: {  	p1 =	seq.s32 s10, $0x1;
	s10 =	sld [smem:$0x3FB7];
	_ =	sdelay $0x3  }
0x37: {  	[smem:$0x3FB7] =	sst s10  }
0x38: {  	s10 =	sld [smem:$0x3FB8]  }
0x39: {  	_ = 	snop;
	(pc) =	sbr.ind lr, $3  }
0x3a: {  	_ = 	snop  }
0x3b: {  	_ = 	snop  }
0x3c: {  	p2 =	seq.s32 s10, $0x1;
	s10 =	sld [smem:$0x3FB7]  }
0x3d: {  	_ =	shalt  }
0x3e: {  	_ =	shalt  }
0x3f: {  	_ =	shalt  }
0x40: {  	_ =	shalt  }
0x41: {  	_ =	shalt  }
0x42: {  	_ =	shalt  }
0x43: {  	_ =	shalt  }
0x44: {  	_ =	shalt  }
0x45: {  	_ =	shalt  }
0x46: {  	_ =	shalt  }
0x47: {  	_ =	shalt  }
0x48: {  	_ =	shalt  }
0x49: {  	_ =	shalt  }
0x4a: {  	_ =	shalt  }
0x4b: {  	_ =	shalt  }
0x4c: {  	_ =	shalt  }
0x4d: {  	_ =	shalt  }
0x4e: {  	_ =	shalt  }
0x4f: {  	_ =	shalt  }
0x50: {  	_ =	shalt  }
0x51: {  	_ =	shalt  }
0x52: {  	_ =	shalt  }
0x53: {  	_ =	shalt  }
0x54: {  	_ =	shalt  }
0x55: {  	_ =	shalt  }
0x56: {  	_ =	shalt  }
0x57: {  	_ =	shalt  }
0x58: {  	_ =	shalt  }
0x59: {  	_ =	shalt  }
0x5a: {  	_ =	shalt  }
0x5b: {  	_ =	shalt  }
0x5c: {  	_ =	shalt  }
0x5d: {  	_ =	shalt  }
0x5e: {  	_ =	shalt  }
0x5f: {  	_ =	shalt  }
0x60: {  	_ =	shalt  }
0x61: {  	_ =	shalt  }
0x62: {  	_ =	shalt  }
0x63: {  	_ =	shalt  }
0x64: {  	_ =	shalt  }
0x65: {  	_ =	shalt  }
0x66: {  	_ =	shalt  }
0x67: {  	_ =	shalt  }
0x68: {  	_ =	shalt  }
0x69: {  	_ =	shalt  }
0x6a: {  	_ =	shalt  }
0x6b: {  	_ =	shalt  }
0x6c: {  	_ =	shalt  }
0x6d: {  	_ =	shalt  }
0x6e: {  	_ =	shalt  }
0x6f: {  	_ =	shalt  }
0x70: {  	_ =	shalt  }
0x71: {  	_ =	shalt  }
0x72: {  	_ =	shalt  }
0x73: {  	_ =	shalt  }
0x74: {  	_ =	shalt  }
0x75: {  	_ =	shalt  }
0x76: {  	_ =	shalt  }
0x77: {  	_ =	shalt  }
0x78: {  	_ =	shalt  }
0x79: {  	_ =	shalt  }
0x7a: {  	_ =	shalt  }
0x7b: {  	_ =	shalt  }
0x7c: {  	_ =	shalt  }
0x7d: {  	_ =	shalt  }
0x7e: {  	_ =	shalt  }
0x7f: {  	_ =	shalt  }
0x80: {  	_ =	shalt  }
0x81: {  	_ =	shalt  }
0x82: {  	_ =	shalt  }
0x83: {  	_ =	shalt  }
0x84: {  	_ =	shalt  }
0x85: {  	_ =	shalt  }
0x86: {  	_ =	shalt  }
0x87: {  	_ =	shalt  }
.Lfunc_end0:
.L_simem_size_0:
called_computation_lowered:
.L_overlay_start_0:
0x88: {  	s2 =	sld [smem:$0x3FD9]  }
0x89: {  	s3 =	sld [smem:$0x3FFE];
	_ =	sdelay $0x1  }
0x8a: {  	s1 =	srdreg.scid  }
0x8b: {  	s0 =	sand.u32 $0x1, s1  }
0x8c: {  	s16 =	sshll.u32 s0, $0xA;
	s2 =	sadd.s32 s3, s2  }
0x8d: {  	s2 =	sadd.s32 s2, s16  }
0x8e: {  	[smem:$0x3FC3] =	sst s2  }
0x8f: {  	_ = 	snop  }
0x90: {  	(tm) =	ssettm $0x1  }
0x91: {  	s17 =	sld [smem:$0x3FFB];
	_ =	sdelay $0x3  }
0x92: {  	_ =	strace s17  }
0x93: {  	s2 =	sld [smem:$0x3FFC];
	_ =	sdelay $0x3  }
0x94: {  	_ =	strace s2  }
0x95: {  	s2 =	sld [smem:$0x3FFD];
	_ =	sdelay $0x3  }
0x96: {  	_ =	strace s2  }
0x97: {  	_ =	strace $0x8FFFFFFF  }
0x98: {  	s18 =	sld [smem:$0x3FDB];
	_ =	sdelay $0x1  }
0x99: {  	s19 =	simm.s32 $_scs_section_size  }
0x9a: {  	s4 =	simm.s32 $_size__tile_overlayer_lowered;
	s5 =	simm.s32 $_tile_overlayer_lowered  }
0x9b: {  	s22 =	simm.s32 $0x1BFF;
	s21 =	sshll.u32 s5, $0x1;
	s2 =	sadd.s32 s19, s18  }
0x9c: {  	s6 =	simm.s32 $0x0;
	s20 =	sshll.u32 s4, $0x1;
	s4 =	sadd.s32 s21, s2  }
0x9d: {  	[timem:s6], [sflag:s22] =	dma.local [hbm:s4], s20  }
0x9e: {  	_ =	swait.ge [sflag:s22], s20  }
0x9f: {  	s3 =	ssub.s32 $0x0, s20;
	[sflag:s22] =	ssyncset.done $0x0  }
0xa0: {  	[sflag:s22] =	ssyncadd.s32 s3;
	_ =	sdelay $0x1  }
0xa1: {  	s23 =	simm.s32 $0x1B8B  }
0xa2: {  	_ =	swait.ge [sflag:s23], $0x1  }
0xa3: {  	[sflag:s23] =	ssyncset.done $0x0  }
0xa4: {  	s25 =	simm.s32 $0x1B8E;
	s24 =	sld [smem:$0x3FFE];
	[sflag:s23] =	ssyncadd.s32 $0xFFFFFFFF  }
0xa5: {  	s26 =	simm.s32 $execute0_lowered;
	[smem:$0x3FD2] =	sst s25  }
0xa6: {  	s4 =	sshll.u32 s26, $0x1;
	_ =	strace $0x80000046;
	[dreg:$0x1] =	wrdreg $0xFFFFFFFF  }
0xa7: {  	s28 =	simm.s32 $_size_execute0_lowered;
	s2 =	sadd.s32 s2, s4;
	[dreg:$0x0] =	wrdreg $0x0  }
0xa8: {  	s4 =	sshll.u32 s28, $0x1;
	[dreg:$0x2] =	wrdreg s2  }
0xa9: {  	[dreg:$0x3] =	wrdreg s4  }
0xaa: {  	[dreg:$0x4] =	wrdreg $0xC0  }
0xab: {  	_ =	task [dreg:s6], $0x5FFFF  }
0xac: {  	[dreg:$0x1] =	wrdreg $0xFFFFFFFF  }
0xad: {  	[dreg:$0x0] =	wrdreg $0x60  }
0xae: {  	[dreg:$0x2] =	wrdreg s24  }
0xaf: {  	[dreg:$0x3] =	wrdreg $0x9  }
0xb0: {  	_ =	task.clear_ibuf [dreg:s6], $0x4FFFF;
	_ =	strace $0x90000046  }
0xb1: {  	s29 =	simm.s32 $0x9;
	_ =	strace $0x80000048  }
0xb2: {  	_ =	swait.ge [sflag:s29], $0x1  }
0xb3: {  	[sflag:s29] =	ssyncadd.s32 $0xFFFFFFFF  }
0xb4: {  	_ =	strace $0x90000048  }
0xb5: {  	_ =	sfence  }
0xb6: {  	s30 =	sld [smem:$0x0];
	_ =	sdelay $0x2  }
0xb7: {  	s31 =	sshll.u32 s1, $0xD;
	s1 =	sshrl.u32 s1, $0x2  }
0xb8: {  	s3 =	sand.u32 $0x4000, s31;
	s1 =	sadd.s32 s1, s30  }
0xb9: {  	s0 =	sor.u32 s3, s0;
	s1 =	sshll.u32 s1, $0x11  }
0xba: {  	s0 =	sor.u32 s1, s0  }
0xbb: {  	s0 =	sadd.s32 $0x8F2B, s0  }
0xbc: {  	[sflag:s0] =	ssyncadd.remote.s32 $0x1  }
0xbd: {  	_ =	sfence.sel $0xFFFF  }
0xbe: {  	[dreg:$0x0] =	wrdreg $0xFFFFFFFF;
	(pc) =	sbr.abs _section_cstart, $3  }
0xbf: {  	[dreg:$0x1] =	wrdreg $0xFFFFFFFF  }
0xc0: {  	_ =	task.clear_ibuf [dreg:s6], $0x2FFFF;
	_ =	strace $0x9FFFFFFF  }
0xc1: {  	(tm) =	ssettm $0x7FFFFFFF  }
tec
execute0_lowered:
.L_overlay_start_1:
0x0: {  	(tag) =	ssettag $0x1  }
0x1: {  	s0 =	srdreg.scid;
	s1 =	stileid.u32  }
0x2: {  	s5 =	rddreg [dreg:$0x0];
	s2 =	simm.s32 $0x0;
	s28 =	simm.s32 $0x1  }
0x3: {  	s0 =	sand.u32 $0x1, s0;
	s1 =	sshll.u32 s1, $0x1;
	[smem:$0x7FF] =	sst s2  }
0x4: {  	s31 =	sadd.s32 $0x5800, s5;
	s1 =	sor.u32 s0, s1;
	_ =	strace $0x80000047  }
0x5: {  	[dreg:$0x2] =	wrdreg s31;
	s0 =	ssub.s32 $0x2, s0;
	s3 =	smul.u32 $0x140, s1  }
0x6: {  	s4 =	smul.u32 $0x280, s1;
	s1 =	sshll.u32 s1, $0x6;
	s6 =	sshrl.u32 s0, $0x1  }
0x7: {  	s1 =	sadd.s32 s1, s5;
	s0 =	ssub.s32 s0, s6;
	s22 =	sadd.s32 s3, s5  }
0x8: {  	s16 =	sadd.s32 s4, s5;
	s4 =	sadd.s32 $0x8800, s5;
	s17 =	sadd.s32 $0x8A00, s1  }
0x9: {  	s18 =	smax.u32 s0, $0x1;
	s0 =	simm.s32 $0x0;
	s5 =	sadd.s32 $0x6000, s22  }
0xa: {  	s6 =	sadd.s32 $0x6010, s22;
	s7 =	sadd.s32 $0x6020, s22;
	s8 =	sadd.s32 $0x6030, s22  }
0xb: {  	s9 =	sadd.s32 $0x800, s16;
	s10 =	sadd.s32 $0x810, s16;
	s11 =	sadd.s32 $0x820, s16  }
0xc: {  	s12 =	sadd.s32 $0x830, s16;
	s13 =	sadd.s32 $0x840, s16;
	s14 =	sadd.s32 $0x850, s16  }
0xd: {  	s15 =	sadd.s32 $0x860, s16;
	s16 =	sadd.s32 $0x870, s16;
	s19 =	sadd.s32 $0x6040, s22  }
0xe: {  	s20 =	sadd.s32 $0x6080, s22;
	s21 =	sadd.s32 $0x60C0, s22;
	s22 =	sadd.s32 $0x6100, s22  }
.LBB2_1:
0xf: {  	[tilespmem:s2], [sflag:$0x1] =	stream.linear.gather [hbm4b:s5+s2], $0x80, $0x38;
	[tilespmem:$0x6100] =	vst v63  }
0x10: {  	s1 =	simm.s32 $0x200  }
0x11: {  	[tilespmem:s1], [sflag:$0x1] =	stream.linear.gather [hbm4b:s19+s2], $0x80, $0x38;
	[tilespmem:$0x6100] =	vst v63  }
0x12: {  	s29 =	simm.s32 $0x400  }
0x13: {  	[tilespmem:s29], [sflag:$0x1] =	stream.linear.gather [hbm4b:s20+s2], $0x80, $0x38;
	[tilespmem:$0x6100] =	vst v63  }
0x14: {  	s30 =	simm.s32 $0x600  }
0x15: {  	[tilespmem:s30], [sflag:$0x1] =	stream.linear.gather [hbm4b:s21+s2], $0x80, $0x38;
	[tilespmem:$0x6100] =	vst v63  }
0x16: {  	s31 =	simm.s32 $0x800  }
0x17: {  	[tilespmem:s31], [sflag:$0x1] =	stream.linear.gather [hbm4b:s22+s2], $0x80, $0x38;
	[tilespmem:$0x6100] =	vst v63  }
0x18: {  	_ =	swait.ge [sflag:s28], $0x280  }
0x19: {  	[sflag:s28] =	ssyncset.done $0x0  }
0x1a: {  	s3 =	simm.s32 $0x80;
	[sflag:s28] =	ssyncadd.s32 $0xFFFFFD80  }
0x1b: {  	[tilespmem:s3], [sflag:$0x1] =	stream.linear.gather [hbm4b:s6+s2], $0x80, $0x38;
	[tilespmem:$0x6100] =	vst v63  }
0x1c: {  	s23 =	sadd.s32 $0x40, s6;
	s3 =	simm.s32 $0x280  }
0x1d: {  	[tilespmem:s3], [sflag:$0x1] =	stream.linear.gather [hbm4b:s23+s2], $0x80, $0x38;
	[tilespmem:$0x6100] =	vst v63  }
0x1e: {  	s24 =	sadd.s32 $0x80, s6;
	s25 =	simm.s32 $0x480  }
0x1f: {  	[tilespmem:s25], [sflag:$0x1] =	stream.linear.gather [hbm4b:s24+s2], $0x80, $0x38;
	[tilespmem:$0x6100] =	vst v63  }
0x20: {  	s26 =	sadd.s32 $0xC0, s6;
	s29 =	simm.s32 $0x680  }
0x21: {  	[tilespmem:s29], [sflag:$0x1] =	stream.linear.gather [hbm4b:s26+s2], $0x80, $0x38;
	[tilespmem:$0x6100] =	vst v63  }
0x22: {  	s30 =	sadd.s32 $0x100, s6;
	s31 =	simm.s32 $0x880  }
0x23: {  	[tilespmem:s31], [sflag:$0x1] =	stream.linear.gather [hbm4b:s30+s2], $0x80, $0x38;
	[tilespmem:$0x6100] =	vst v63  }
0x24: {  	_ =	swait.ge [sflag:s28], $0x280  }
0x25: {  	[sflag:s28] =	ssyncset.done $0x0  }
0x26: {  	s23 =	simm.s32 $0x100;
	[sflag:s28] =	ssyncadd.s32 $0xFFFFFD80  }
0x27: {  	[tilespmem:s23], [sflag:$0x1] =	stream.linear.gather [hbm4b:s7+s2], $0x80, $0x38;
	[tilespmem:$0x6100] =	vst v63  }
0x28: {  	s24 =	sadd.s32 $0x40, s7;
	s25 =	simm.s32 $0x300  }
0x29: {  	[tilespmem:s25], [sflag:$0x1] =	stream.linear.gather [hbm4b:s24+s2], $0x80, $0x38;
	[tilespmem:$0x6100] =	vst v63  }
0x2a: {  	s26 =	sadd.s32 $0x80, s7;
	s29 =	simm.s32 $0x500  }
0x2b: {  	[tilespmem:s29], [sflag:$0x1] =	stream.linear.gather [hbm4b:s26+s2], $0x80, $0x38;
	[tilespmem:$0x6100] =	vst v63  }
0x2c: {  	s30 =	sadd.s32 $0xC0, s7;
	s31 =	simm.s32 $0x700  }
0x2d: {  	[tilespmem:s31], [sflag:$0x1] =	stream.linear.gather [hbm4b:s30+s2], $0x80, $0x38;
	[tilespmem:$0x6100] =	vst v63  }
0x2e: {  	s23 =	sadd.s32 $0x100, s7;
	s24 =	simm.s32 $0x900  }
0x2f: {  	[tilespmem:s24], [sflag:$0x1] =	stream.linear.gather [hbm4b:s23+s2], $0x80, $0x38;
	[tilespmem:$0x6100] =	vst v63  }
0x30: {  	_ =	swait.ge [sflag:s28], $0x280  }
0x31: {  	[sflag:s28] =	ssyncset.done $0x0  }
0x32: {  	s25 =	simm.s32 $0x180;
	[sflag:s28] =	ssyncadd.s32 $0xFFFFFD80  }
0x33: {  	[tilespmem:s25], [sflag:$0x1] =	stream.linear.gather [hbm4b:s8+s2], $0x80, $0x38;
	[tilespmem:$0x6100] =	vst v63  }
0x34: {  	s26 =	sadd.s32 $0x40, s8;
	s29 =	simm.s32 $0x380  }
0x35: {  	[tilespmem:s29], [sflag:$0x1] =	stream.linear.gather [hbm4b:s26+s2], $0x80, $0x38;
	[tilespmem:$0x6100] =	vst v63  }
0x36: {  	s30 =	sadd.s32 $0x80, s8;
	s31 =	simm.s32 $0x580  }
0x37: {  	[tilespmem:s31], [sflag:$0x1] =	stream.linear.gather [hbm4b:s30+s2], $0x80, $0x38;
	[tilespmem:$0x6100] =	vst v63  }
0x38: {  	s23 =	sadd.s32 $0xC0, s8;
	s24 =	simm.s32 $0x780  }
0x39: {  	[tilespmem:s24], [sflag:$0x1] =	stream.linear.gather [hbm4b:s23+s2], $0x80, $0x38;
	[tilespmem:$0x6100] =	vst v63  }
0x3a: {  	s25 =	sadd.s32 $0x100, s8;
	s26 =	simm.s32 $0x980  }
0x3b: {  	[tilespmem:s26], [sflag:$0x1] =	stream.linear.gather [hbm4b:s25+s2], $0x80, $0x38;
	[tilespmem:$0x6100] =	vst v63  }
0x3c: {  	_ =	swait.ge [sflag:s28], $0x280  }
0x3d: {  	[sflag:s28] =	ssyncset.done $0x0  }
0x3e: {  	s29 =	simm.s32 $0xA00;
	[sflag:s28] =	ssyncadd.s32 $0xFFFFFD80  }
0x3f: {  	[tilespmem:s29], [sflag:$0x1] =	stream.linear.gather [hbm4b:s9+s2], $0x80, $0x38;
	[tilespmem:$0x6100] =	vst v63  }
0x40: {  	s30 =	sadd.s32 $0x80, s9;
	s31 =	simm.s32 $0xE00  }
0x41: {  	[tilespmem:s31], [sflag:$0x1] =	stream.linear.gather [hbm4b:s30+s2], $0x80, $0x38;
	[tilespmem:$0x6100] =	vst v63  }
0x42: {  	s23 =	sadd.s32 $0x100, s9;
	s24 =	simm.s32 $0x1200  }
0x43: {  	[tilespmem:s24], [sflag:$0x1] =	stream.linear.gather [hbm4b:s23+s2], $0x80, $0x38;
	[tilespmem:$0x6100] =	vst v63  }
0x44: {  	s25 =	sadd.s32 $0x180, s9;
	s26 =	simm.s32 $0x1600  }
0x45: {  	[tilespmem:s26], [sflag:$0x1] =	stream.linear.gather [hbm4b:s25+s2], $0x80, $0x38;
	[tilespmem:$0x6100] =	vst v63  }
0x46: {  	s29 =	sadd.s32 $0x200, s9;
	s30 =	simm.s32 $0x1A00  }
0x47: {  	[tilespmem:s30], [sflag:$0x1] =	stream.linear.gather [hbm4b:s29+s2], $0x80, $0x38;
	[tilespmem:$0x6100] =	vst v63  }
0x48: {  	_ =	swait.ge [sflag:s28], $0x280  }
0x49: {  	[sflag:s28] =	ssyncset.done $0x0  }
0x4a: {  	s31 =	simm.s32 $0xA80;
	[sflag:s28] =	ssyncadd.s32 $0xFFFFFD80  }
0x4b: {  	[tilespmem:s31], [sflag:$0x1] =	stream.linear.gather [hbm4b:s10+s2], $0x80, $0x38;
	[tilespmem:$0x6100] =	vst v63  }
0x4c: {  	s3 =	sadd.s32 $0x80, s10;
	s23 =	simm.s32 $0xE80  }
0x4d: {  	[tilespmem:s23], [sflag:$0x1] =	stream.linear.gather [hbm4b:s3+s2], $0x80, $0x38;
	[tilespmem:$0x6100] =	vst v63  }
0x4e: {  	s24 =	sadd.s32 $0x100, s10;
	s25 =	simm.s32 $0x1280  }
0x4f: {  	[tilespmem:s25], [sflag:$0x1] =	stream.linear.gather [hbm4b:s24+s2], $0x80, $0x38;
	[tilespmem:$0x6100] =	vst v63  }
0x50: {  	s26 =	sadd.s32 $0x180, s10;
	s29 =	simm.s32 $0x1680  }
0x51: {  	[tilespmem:s29], [sflag:$0x1] =	stream.linear.gather [hbm4b:s26+s2], $0x80, $0x38;
	[tilespmem:$0x6100] =	vst v63  }
0x52: {  	s30 =	sadd.s32 $0x200, s10;
	s31 =	simm.s32 $0x1A80  }
0x53: {  	[tilespmem:s31], [sflag:$0x1] =	stream.linear.gather [hbm4b:s30+s2], $0x80, $0x38;
	[tilespmem:$0x6100] =	vst v63  }
0x54: {  	_ =	swait.ge [sflag:s28], $0x280  }
0x55: {  	[sflag:s28] =	ssyncset.done $0x0  }
0x56: {  	s23 =	simm.s32 $0xB00;
	[sflag:s28] =	ssyncadd.s32 $0xFFFFFD80  }
0x57: {  	[tilespmem:s23], [sflag:$0x1] =	stream.linear.gather [hbm4b:s11+s2], $0x80, $0x38;
	[tilespmem:$0x6100] =	vst v63  }
0x58: {  	s24 =	sadd.s32 $0x80, s11;
	s25 =	simm.s32 $0xF00  }
0x59: {  	[tilespmem:s25], [sflag:$0x1] =	stream.linear.gather [hbm4b:s24+s2], $0x80, $0x38;
	[tilespmem:$0x6100] =	vst v63  }
0x5a: {  	s26 =	sadd.s32 $0x100, s11;
	s29 =	simm.s32 $0x1300  }
0x5b: {  	[tilespmem:s29], [sflag:$0x1] =	stream.linear.gather [hbm4b:s26+s2], $0x80, $0x38;
	[tilespmem:$0x6100] =	vst v63  }
0x5c: {  	s30 =	sadd.s32 $0x180, s11;
	s31 =	simm.s32 $0x1700  }
0x5d: {  	[tilespmem:s31], [sflag:$0x1] =	stream.linear.gather [hbm4b:s30+s2], $0x80, $0x38;
	[tilespmem:$0x6100] =	vst v63  }
0x5e: {  	s23 =	sadd.s32 $0x200, s11;
	s24 =	simm.s32 $0x1B00  }
0x5f: {  	[tilespmem:s24], [sflag:$0x1] =	stream.linear.gather [hbm4b:s23+s2], $0x80, $0x38;
	[tilespmem:$0x6100] =	vst v63  }
0x60: {  	_ =	swait.ge [sflag:s28], $0x280  }
0x61: {  	[sflag:s28] =	ssyncset.done $0x0  }
0x62: {  	s25 =	simm.s32 $0xB80;
	[sflag:s28] =	ssyncadd.s32 $0xFFFFFD80  }
0x63: {  	[tilespmem:s25], [sflag:$0x1] =	stream.linear.gather [hbm4b:s12+s2], $0x80, $0x38;
	[tilespmem:$0x6100] =	vst v63  }
0x64: {  	s26 =	sadd.s32 $0x80, s12;
	s29 =	simm.s32 $0xF80  }
0x65: {  	[tilespmem:s29], [sflag:$0x1] =	stream.linear.gather [hbm4b:s26+s2], $0x80, $0x38;
	[tilespmem:$0x6100] =	vst v63  }
0x66: {  	s30 =	sadd.s32 $0x100, s12;
	s31 =	simm.s32 $0x1380  }
0x67: {  	[tilespmem:s31], [sflag:$0x1] =	stream.linear.gather [hbm4b:s30+s2], $0x80, $0x38;
	[tilespmem:$0x6100] =	vst v63  }
0x68: {  	s23 =	sadd.s32 $0x180, s12;
	s24 =	simm.s32 $0x1780  }
0x69: {  	[tilespmem:s24], [sflag:$0x1] =	stream.linear.gather [hbm4b:s23+s2], $0x80, $0x38;
	[tilespmem:$0x6100] =	vst v63  }
0x6a: {  	s25 =	sadd.s32 $0x200, s12;
	s26 =	simm.s32 $0x1B80  }
0x6b: {  	[tilespmem:s26], [sflag:$0x1] =	stream.linear.gather [hbm4b:s25+s2], $0x80, $0x38;
	[tilespmem:$0x6100] =	vst v63  }
0x6c: {  	_ =	swait.ge [sflag:s28], $0x280  }
0x6d: {  	[sflag:s28] =	ssyncset.done $0x0  }
0x6e: {  	s29 =	simm.s32 $0xC00;
	[sflag:s28] =	ssyncadd.s32 $0xFFFFFD80  }
0x6f: {  	[tilespmem:s29], [sflag:$0x1] =	stream.linear.gather [hbm4b:s13+s2], $0x80, $0x38;
	[tilespmem:$0x6100] =	vst v63  }
0x70: {  	s30 =	sadd.s32 $0x80, s13;
	s31 =	simm.s32 $0x1000  }
0x71: {  	[tilespmem:s31], [sflag:$0x1] =	stream.linear.gather [hbm4b:s30+s2], $0x80, $0x38;
	[tilespmem:$0x6100] =	vst v63  }
0x72: {  	s23 =	sadd.s32 $0x100, s13;
	s24 =	simm.s32 $0x1400  }
0x73: {  	[tilespmem:s24], [sflag:$0x1] =	stream.linear.gather [hbm4b:s23+s2], $0x80, $0x38;
	[tilespmem:$0x6100] =	vst v63  }
0x74: {  	s25 =	sadd.s32 $0x180, s13;
	s26 =	simm.s32 $0x1800  }
0x75: {  	[tilespmem:s26], [sflag:$0x1] =	stream.linear.gather [hbm4b:s25+s2], $0x80, $0x38;
	[tilespmem:$0x6100] =	vst v63  }
0x76: {  	s29 =	sadd.s32 $0x200, s13;
	s30 =	simm.s32 $0x1C00  }
0x77: {  	[tilespmem:s30], [sflag:$0x1] =	stream.linear.gather [hbm4b:s29+s2], $0x80, $0x38;
	[tilespmem:$0x6100] =	vst v63  }
0x78: {  	_ =	swait.ge [sflag:s28], $0x280  }
0x79: {  	[sflag:s28] =	ssyncset.done $0x0  }
0x7a: {  	s31 =	simm.s32 $0xC80;
	[sflag:s28] =	ssyncadd.s32 $0xFFFFFD80  }
0x7b: {  	[tilespmem:s31], [sflag:$0x1] =	stream.linear.gather [hbm4b:s14+s2], $0x80, $0x38;
	[tilespmem:$0x6100] =	vst v63  }
0x7c: {  	s3 =	sadd.s32 $0x80, s14;
	s23 =	simm.s32 $0x1080  }
0x7d: {  	[tilespmem:s23], [sflag:$0x1] =	stream.linear.gather [hbm4b:s3+s2], $0x80, $0x38;
	[tilespmem:$0x6100] =	vst v63  }
0x7e: {  	s24 =	sadd.s32 $0x100, s14;
	s25 =	simm.s32 $0x1480  }
0x7f: {  	[tilespmem:s25], [sflag:$0x1] =	stream.linear.gather [hbm4b:s24+s2], $0x80, $0x38;
	[tilespmem:$0x6100] =	vst v63  }
0x80: {  	s26 =	sadd.s32 $0x180, s14;
	s29 =	simm.s32 $0x1880  }
0x81: {  	[tilespmem:s29], [sflag:$0x1] =	stream.linear.gather [hbm4b:s26+s2], $0x80, $0x38;
	[tilespmem:$0x6100] =	vst v63  }
0x82: {  	s30 =	sadd.s32 $0x200, s14;
	s31 =	simm.s32 $0x1C80  }
0x83: {  	[tilespmem:s31], [sflag:$0x1] =	stream.linear.gather [hbm4b:s30+s2], $0x80, $0x38;
	[tilespmem:$0x6100] =	vst v63  }
0x84: {  	_ =	swait.ge [sflag:s28], $0x280  }
0x85: {  	[sflag:s28] =	ssyncset.done $0x0  }
0x86: {  	s23 =	simm.s32 $0xD00;
	[sflag:s28] =	ssyncadd.s32 $0xFFFFFD80  }
0x87: {  	[tilespmem:s23], [sflag:$0x1] =	stream.linear.gather [hbm4b:s15+s2], $0x80, $0x38;
	[tilespmem:$0x6100] =	vst v63  }
0x88: {  	s24 =	sadd.s32 $0x80, s15;
	s25 =	simm.s32 $0x1100  }
0x89: {  	[tilespmem:s25], [sflag:$0x1] =	stream.linear.gather [hbm4b:s24+s2], $0x80, $0x38;
	[tilespmem:$0x6100] =	vst v63  }
0x8a: {  	s26 =	sadd.s32 $0x100, s15;
	s29 =	simm.s32 $0x1500  }
0x8b: {  	[tilespmem:s29], [sflag:$0x1] =	stream.linear.gather [hbm4b:s26+s2], $0x80, $0x38;
	[tilespmem:$0x6100] =	vst v63  }
0x8c: {  	s30 =	sadd.s32 $0x180, s15;
	s31 =	simm.s32 $0x1900  }
0x8d: {  	[tilespmem:s31], [sflag:$0x1] =	stream.linear.gather [hbm4b:s30+s2], $0x80, $0x38;
	[tilespmem:$0x6100] =	vst v63  }
0x8e: {  	s23 =	sadd.s32 $0x200, s15;
	s24 =	simm.s32 $0x1D00  }
0x8f: {  	[tilespmem:s24], [sflag:$0x1] =	stream.linear.gather [hbm4b:s23+s2], $0x80, $0x38;
	[tilespmem:$0x6100] =	vst v63  }
0x90: {  	_ =	swait.ge [sflag:s28], $0x280  }
0x91: {  	[sflag:s28] =	ssyncset.done $0x0  }
0x92: {  	s25 =	simm.s32 $0xD80;
	[sflag:s28] =	ssyncadd.s32 $0xFFFFFD80  }
0x93: {  	[tilespmem:s25], [sflag:$0x1] =	stream.linear.gather [hbm4b:s16+s2], $0x80, $0x38;
	[tilespmem:$0x6100] =	vst v63  }
0x94: {  	s26 =	sadd.s32 $0x80, s16;
	s29 =	simm.s32 $0x1180  }
0x95: {  	[tilespmem:s29], [sflag:$0x1] =	stream.linear.gather [hbm4b:s26+s2], $0x80, $0x38;
	[tilespmem:$0x6100] =	vst v63  }
0x96: {  	s30 =	sadd.s32 $0x100, s16;
	s31 =	simm.s32 $0x1580  }
0x97: {  	[tilespmem:s31], [sflag:$0x1] =	stream.linear.gather [hbm4b:s30+s2], $0x80, $0x38;
	[tilespmem:$0x6100] =	vst v63  }
0x98: {  	s23 =	sadd.s32 $0x180, s16;
	s24 =	simm.s32 $0x1980  }
0x99: {  	[tilespmem:s24], [sflag:$0x1] =	stream.linear.gather [hbm4b:s23+s2], $0x80, $0x38;
	[tilespmem:$0x6100] =	vst v63  }
0x9a: {  	s25 =	sadd.s32 $0x200, s16;
	s26 =	simm.s32 $0x1D80  }
0x9b: {  	[tilespmem:s26], [sflag:$0x1] =	stream.linear.gather [hbm4b:s25+s2], $0x80, $0x38;
	[tilespmem:$0x6100] =	vst v63  }
0x9c: {  	_ =	swait.ge [sflag:s28], $0x280  }
0x9d: {  	[sflag:s28] =	ssyncset.done $0x0  }
0x9e: {  	s30 =	simm.s32 $0x1E00;
	s29 =	rddreg [dreg:$0x2];
	[sflag:s28] =	ssyncadd.s32 $0xFFFFFD80  }
0x9f: {  	[tilespmem:s30], [sflag:$0x1] =	stream.linear.gather [hbm4b:s29+s2], $0x4000, $0x38;
	[tilespmem:$0x6100] =	vst v63  }
0xa0: {  	_ =	swait.ge [sflag:s28], $0x4000  }
0xa1: {  	[sflag:s28] =	ssyncset.done $0x0  }
0xa2: {  	s31 =	simm.s32 $0x5E00;
	[sflag:s28] =	ssyncadd.s32 $0xFFFFC000  }
0xa3: {  	[tilespmem:s31], [sflag:$0x1] =	stream.linear.gather [hbm4b:s4+s2], $0x100, $0x38;
	[tilespmem:$0x6100] =	vst v63  }
0xa4: {  	_ =	swait.ge [sflag:s28], $0x100  }
0xa5: {  	[sflag:s28] =	ssyncset.done $0x0  }
0xa6: {  	[sflag:s28] =	ssyncadd.s32 $0xFFFFFF00  }
0xa7: {  	v0 =	vld [tilespmem:$0x5E00];
	_ =	sdelay $0x4  }
0xa8: {  	[tilespmem:$0x1FFE0] =	vst v0;
	v0 =	vld [tilespmem:$0x5E80];
	_ =	sdelay $0x3  }
0xa9: {  	v1 =	vimm.f32 $0.0e+00  }
0xaa: {  	v4 =	vimm.f32 $0.0e+00;
	v6 =	vimm.f32 $0.0e+00;
	s23 =	simm.s32 $0x0;
	[tilespmem:$0x1FFF0] =	vst v0;
	v0 =	vimm.f32 $0.0e+00  }
.LBB2_2:
0xab: {  	s1 =	sshll.u32 s23, $0x5;
	s24 =	sshll.u32 s23, $0x7  }
0xac: {  	s25 =	sand.u32 $0x60, s1;
	s3 =	sand.u32 $0x3FFFFE00, s24  }
0xad: {  	s26 =	sor.u32 s25, s3  }
0xae: {  	v14 =	vld [tilespmem:s26+$0x0]  }
0xaf: {  	v12 =	vld [tilespmem:s26+$0x80]  }
0xb0: {  	s24 =	sor.u32 $0x10, s25;
	v31 =	vld [tilespmem:s26+$0x100]  }
0xb1: {  	v33 =	vld [tilespmem:s26+$0x180];
	s1 =	sor.u32 s24, s3  }
0xb2: {  	v11 =	vld [tilespmem:s1+$0x0]  }
0xb3: {  	s3 =	simm.s32 $0x0;
	v10 =	vld [tilespmem:s1+$0x80]  }
0xb4: {  	v34 =	vld [tilespmem:s1+$0x100];
	s29 =	sand.u32 $0x60, s3;
	s26 =	sand.u32 $0x3C00, s3  }
0xb5: {  	v9 =	vld [tilespmem:s1+$0x180];
	s26 =	sor.u32 s29, s26  }
0xb6: {  	v17 =	vld [tilespmem:s26+$0x1E10]  }
0xb7: {  	v20 =	vld [tilespmem:s26+$0x1F10]  }
0xb8: {  	v24 =	vld [tilespmem:s26+$0x1E90]  }
0xb9: {  	v13 =	vld [tilespmem:s26+$0x1F90]  }
0xba: {  	v18 =	vld [tilespmem:s26+$0x1E00]  }
0xbb: {  	v8 =	vimm.f32 $0.0e+00;
	v26 =	vld [tilespmem:s26+$0x1F00]  }
0xbc: {  	[tilespmem:$0x1FFB0] =	vst v4;
	v35 =	vimm.f32 $0.0e+00;
	v4 =	vld [tilespmem:s26+$0x2000];
	v23 =	vsub.f32 v31, v14;
	v22 =	vsub.f32 v33, v12  }
0xbd: {  	v36 =	vimm.f32 $0.0e+00;
	v25 =	vld [tilespmem:s26+$0x1F80];
	v16 =	vsub.f32 v34, v11;
	v15 =	vsub.f32 v9, v10  }
0xbe: {  	v37 =	vimm.f32 $0.0e+00;
	v32 =	vimm.f32 $0.0e+00;
	v30 =	vimm.f32 $0.0e+00;
	v19 =	vld [tilespmem:s26+$0x2010]  }
0xbf: {  	[tilespmem:$0x1FFC0] =	vst v0;
	v29 =	vimm.f32 $0.0e+00;
	v21 =	vld [tilespmem:s26+$0x1E80];
	v38 =	vmul.f32 v22, v23;
	v39 =	vmul.f32 v15, v16  }
0xc0: {  	[tilespmem:$0x1FFD0] =	vst v1;
	v0 =	vmin.f32 v31, v20;
	v1 =	vmax.f32 v14, v17;
	v2 =	vmin.f32 v33, v13  }
0xc1: {  	v40 =	vmax.f32 v12, v24;
	v3 =	vmin.f32 v34, v20;
	v41 =	vmax.f32 v11, v17  }
0xc2: {  	v42 =	vmin.f32 v9, v13;
	v43 =	vmax.f32 v10, v24;
	v44 =	vmin.f32 v31, v26  }
0xc3: {  	v45 =	vmax.f32 v14, v18;
	v46 =	vmin.f32 v33, v25;
	v27 =	vadd.f32 v4, v38  }
0xc4: {  	v47 =	vmax.f32 v12, v21;
	v5 =	vadd.f32 v19, v38;
	v28 =	vadd.f32 v4, v39  }
0xc5: {  	s30 =	simm.s32 $0x100;
	v4 =	vadd.f32 v19, v39;
	v19 =	vimm.f32 $0.0e+00;
	(erf) = vrcp.f32 v27  }
0xc6: {  	[tilespmem:$0x1FFA0] =	vst v6;
	s31 =	simm.s32 $0x20;
	s29 =	simm.s32 $0x0;
	s26 =	sshrl.u32 s23, $0x2;
	v27 =	vimm.f32 $0.0e+00;
	(erf) = vrcp.f32 v28;
	v28 =	vimm.f32 $0.0e+00  }
.LBB2_3:
0xc7: {  	s1 =	sand.u32 $0x60, s31;
	s3 =	sand.u32 $0x3C00, s30;
	v48 =	vmin.f32 v34, v26;
	v49 =	vmax.f32 v11, v18;
	(erf) = vrcp.f32 v5  }
0xc8: {  	v0 =	vsub.f32 v0, v1;
	v1 =	vsub.f32 v2, v40;
	s1 =	sor.u32 s1, s3;
	(erf) = vrcp.f32 v4  }
0xc9: {  	v2 =	vmin.f32 v9, v25;
	v3 =	vsub.f32 v3, v41;
	v5 =	vsub.f32 v42, v43;
	v4 =	vld [tilespmem:s1+$0x1E10]  }
0xca: {  	v40 =	vsub.f32 v44, v45;
	v42 =	vsub.f32 v46, v47;
	v43 =	vmax.f32 v10, v21;
	v41 =	vld [tilespmem:s1+$0x1F10]  }
0xcb: {  	v45 =	vsub.f32 v48, v49;
	v2 =	vsub.f32 v2, v43;
	v43 =	vmax.f32 v0, $0.0e+00;
	v44 =	vld [tilespmem:s1+$0x1E90]  }
0xcc: {  	v0 =	vmax.f32 v40, $0.0e+00;
	v1 =	vmax.f32 v1, $0.0e+00;
	v3 =	vmax.f32 v3, $0.0e+00;
	v46 =	vld [tilespmem:s1+$0x1F90]  }
0xcd: {  	v40 =	vmax.f32 v42, $0.0e+00;
	v6 =	vmax.f32 v45, $0.0e+00;
	v2 =	vmax.f32 v2, $0.0e+00  }
0xce: {  	v40 =	vmul.f32 v40, v0;
	v2 =	vmul.f32 v2, v6;
	v6 =	vmax.f32 v5, $0.0e+00;
	v42 =	vpop (erf)  }
0xcf: {  	v43 =	vmul.f32 v1, v43;
	v3 =	vmul.f32 v6, v3;
	v0 =	vmin.f32 v31, v41;
	v5 =	vpop (erf)  }
0xd0: {  	v1 =	vmax.f32 v14, v4;
	v42 =	vmul.f32 v40, v42;
	v5 =	vmul.f32 v2, v5;
	v45 =	vpop (erf)  }
0xd1: {  	v40 =	vmax.f32 v12, v44;
	v2 =	vmin.f32 v33, v46;
	v43 =	vmul.f32 v43, v45;
	v45 =	vpop (erf)  }
0xd2: {  	vm0 =	vgt.f32 v42, v8;
	vm2 =	vgt.f32 v5, v35;
	v3 =	vmul.f32 v3, v45  }
0xd3: {  	v8 =	vsel vm0, v42, v8;
	v5 =	vsel vm2, v5, v35;
	v36 =	vsel vm2, v25, v36  }
0xd4: {  	v37 =	vsel vm2, v26, v37;
	vm1 =	vgt.f32 v43, v8;
	v47 =	vld [tilespmem:s1+$0x1E00];
	vm3 =	vgt.f32 v3, v5  }
0xd5: {  	s29 =	sadd.s32 $0x2, s29;
	v8 =	vsel vm1, v43, v8;
	v48 =	vld [tilespmem:s1+$0x1F00];
	v35 =	vsel vm3, v3, v5;
	v36 =	vsel vm3, v13, v36  }
0xd6: {  	p0 =	slt.u32 s29, $0x7E;
	v30 =	vsel vm2, v21, v30;
	v3 =	vsel vm2, v18, v32;
	v37 =	vsel vm3, v20, v37;
	v5 =	vld [tilespmem:s1+$0x2000]  }
0xd7: {  	v29 =	vsel vm0, v25, v29;
	v30 =	vsel vm3, v24, v30;
	v32 =	vsel vm3, v17, v3;
	v25 =	vld [tilespmem:s1+$0x1F80]  }
0xd8: {  	v26 =	vsel vm0, v26, v27;
	v29 =	vsel vm1, v13, v29;
	v13 =	vmovc v46;
	v3 =	vsel vm0, v21, v28;
	v49 =	vld [tilespmem:s1+$0x2010]  }
0xd9: {  	v27 =	vsel vm1, v20, v26;
	v18 =	vsel vm0, v18, v19;
	v20 =	vmovc v41;
	v28 =	vsel vm1, v24, v3;
	v21 =	vld [tilespmem:s1+$0x1E80]  }
.Ltmp0:
0xda: {  	v41 =	vmax.f32 v11, v4;
	v19 =	vsel vm1, v17, v18;
	v17 =	vmovc v4;
	v3 =	vmin.f32 v34, v20;
	(pc) =	sbr.rel @p0 .LBB2_3-.Ltmp0, $4  }
0xdb: {  	v43 =	vmax.f32 v10, v44;
	v42 =	vmin.f32 v9, v13;
	v24 =	vmovc v44;
	v4 =	vadd.f32 v5, v38  }
0xdc: {  	v45 =	vmax.f32 v14, v47;
	v18 =	vmovc v47;
	v44 =	vmin.f32 v31, v48;
	v50 =	vadd.f32 v5, v39  }
0xdd: {  	v26 =	vmovc v48;
	v46 =	vmin.f32 v33, v25;
	v5 =	vadd.f32 v49, v38;
	(erf) = vrcp.f32 v4  }
0xde: {  	s30 =	sadd.s32 $0x100, s30;
	s31 =	sadd.s32 $0x20, s31;
	v4 =	vadd.f32 v49, v39;
	v47 =	vmax.f32 v12, v21;
	(erf) = vrcp.f32 v50  }
0xdf: {  	s1 =	sshll.u32 s26, $0xA  }
0xe0: {  	v31 =	vmin.f32 v34, v26;
	s1 =	sand.u32 $0x3FFFFC00, s1  }
0xe1: {  	v33 =	vmax.f32 v11, v18;
	(erf) = vrcp.f32 v5;
	v0 =	vsub.f32 v0, v1;
	s1 =	sadd.s32 $0xA00, s1  }
0xe2: {  	v1 =	vsub.f32 v2, v40;
	v2 =	vsub.f32 v3, v41;
	v3 =	vmin.f32 v9, v25;
	s25 =	sor.u32 s25, s1  }
0xe3: {  	v5 =	vsub.f32 v44, v45;
	v9 =	vsub.f32 v46, v47;
	(erf) = vrcp.f32 v4;
	v62 =	vld [tilespmem:s25+$0x100]  }
0xe4: {  	v61 =	vmax.f32 v10, v21;
	v4 =	vsub.f32 v42, v43;
	v31 =	vsub.f32 v31, v33  }
0xe5: {  	v3 =	vsub.f32 v3, v61;
	v0 =	vmax.f32 v0, $0.0e+00;
	v5 =	vmax.f32 v5, $0.0e+00;
	v63 =	vld [tilespmem:s25+$0x180]  }
0xe6: {  	v1 =	vmax.f32 v1, $0.0e+00;
	v2 =	vmax.f32 v2, $0.0e+00;
	v9 =	vmax.f32 v9, $0.0e+00  }
0xe7: {  	v31 =	vmax.f32 v31, $0.0e+00;
	v5 =	vmul.f32 v9, v5;
	v4 =	vmax.f32 v4, $0.0e+00  }
0xe8: {  	v3 =	vmax.f32 v3, $0.0e+00;
	v2 =	vmul.f32 v4, v2;
	v4 =	vmul.f32 $1.442695020e+00, v62  }
0xe9: {  	v39 =	vimm.f32 $0.0e+00;
	v0 =	vmul.f32 v1, v0;
	v3 =	vmul.f32 v3, v31;
	v1 =	vpop (erf)  }
0xea: {  	v44 =	vimm.f32 $0.0e+00;
	v9 =	vpop (erf);
	v1 =	vmul.f32 v5, v1;
	v5 =	vmul.f32 $1.442695020e+00, v63  }
0xeb: {  	v40 =	vimm.f32 $0.0e+00;
	s24 =	sor.u32 s24, s1;
	v3 =	vmul.f32 v3, v9;
	v9 =	vpop (erf);
	(erf) = vpow2.f32 v4  }
0xec: {  	v0 =	vmul.f32 v0, v9;
	vm0 =	vgt.f32 v1, v8;
	(erf) = vpow2.f32 v5;
	v5 =	vld [tilespmem:s24+$0x100];
	v4 =	vpop (erf)  }
0xed: {  	vm2 =	vgt.f32 v3, v35;
	v1 =	vsel vm0, v1, v8;
	v2 =	vmul.f32 v2, v4  }
0xee: {  	v43 =	vimm.f32 $0.0e+00;
	v3 =	vsel vm2, v3, v35;
	vm1 =	vgt.f32 v0, v1;
	v4 =	vld [tilespmem:s24+$0x180]  }
0xef: {  	v8 =	vsel vm2, v25, v36;
	v0 =	vsel vm1, v0, v1;
	vm3 =	vgt.f32 v2, v3  }
0xf0: {  	v9 =	vsel vm2, v26, v37;
	v37 =	vimm.f32 $0.0e+00;
	[tilespmem:$0x1FF50] =	vst v0;
	v0 =	vsel vm3, v2, v3  }
0xf1: {  	v1 =	vld [tilespmem:s25+$0x0];
	v2 =	vsel vm2, v21, v30;
	v5 =	vmul.f32 $1.442695020e+00, v5;
	[tilespmem:$0x1FF60] =	vst v0;
	v0 =	vsel vm3, v13, v8  }
0xf2: {  	v8 =	vadd.f32 $1.000000000e+00, v23;
	v34 =	vsel vm3, v24, v2;
	[tilespmem:$0x1FF70] =	vst v0;
	v0 =	vsel vm2, v18, v32  }
0xf3: {  	v3 =	vld [tilespmem:s25+$0x80];
	v32 =	vsel vm3, v20, v9;
	v9 =	vadd.f32 $1.000000000e+00, v22;
	v4 =	vmul.f32 $1.442695020e+00, v4  }
0xf4: {  	v22 =	vsel vm0, v25, v29;
	(erf) = vpow2.f32 v5;
	v29 =	vimm.f32 $0.0e+00  }
0xf5: {  	v25 =	vimm.f32 $0.0e+00;
	v23 =	vmul.f32 $5.000000000e-01, v8;
	v33 =	vsel vm3, v17, v0  }
0xf6: {  	v1 =	vmul.f32 v1, v8;
	v38 =	vsel vm1, v13, v22;
	v0 =	vmul.f32 $5.000000000e-01, v9;
	v5 =	vpop (erf)  }
0xf7: {  	(erf) = vpow2.f32 v4;
	v4 =	vadd.f32 v23, v14;
	v5 =	vmul.f32 v5, v8  }
0xf8: {  	v13 =	vadd.f32 $1.000000000e+00, v15;
	v8 =	vpop (erf);
	v3 =	vmul.f32 v3, v9;
	v0 =	vadd.f32 v0, v12  }
0xf9: {  	v6 =	vld [tilespmem:$0x1FFE0];
	v8 =	vmul.f32 v8, v9;
	v1 =	vadd.f32 v1, v4;
	v2 =	vmul.f32 $5.000000000e-01, v5  }
0xfa: {  	v7 =	vld [tilespmem:$0x1FFF0];
	v12 =	vadd.f32 $1.000000000e+00, v16;
	v4 =	vsel vm0, v21, v28;
	v28 =	vimm.f32 $0.0e+00  }
0xfb: {  	s31 =	simm.s32 $0x0;
	v5 =	vld [tilespmem:s24+$0x0];
	v0 =	vadd.f32 v3, v0;
	v3 =	vmul.f32 $5.000000000e-01, v8;
	v41 =	vsub.f32 v1, v2  }
0xfc: {  	s3 =	sand.u32 $0x60, s31;
	s1 =	sand.u32 $0x3C00, s31;
	v9 =	vld [tilespmem:s24+$0x80];
	v8 =	vsel vm0, v26, v27;
	v61 =	vsel vm1, v24, v4;
	v27 =	vimm.f32 $0.0e+00  }
0xfd: {  	s1 =	sor.u32 s3, s1;
	v50 =	vadd.f32 v2, v1;
	v2 =	vmul.f32 $5.000000000e-01, v12;
	v1 =	vmax.f32 v41, $0.0e+00  }
0xfe: {  	v16 =	vld [tilespmem:s1+$0x1E00];
	v42 =	vsub.f32 v0, v3;
	v48 =	vadd.f32 v3, v0;
	v0 =	vmul.f32 $5.000000000e-01, v13  }
0xff: {  	v62 =	vsel vm1, v20, v8;
	v2 =	vadd.f32 v2, v11;
	v26 =	vmin.f32 v1, v6  }
0x100: {  	v23 =	vld [tilespmem:s1+$0x1F00];
	v3 =	vmul.f32 v5, v12;
	v0 =	vadd.f32 v0, v10;
	v10 =	vmax.f32 v42, $0.0e+00;
	v1 =	vpop (erf)  }
0x101: {  	v9 =	vmul.f32 v9, v13;
	v11 =	vld [tilespmem:s1+$0x1F10];
	v30 =	vmin.f32 v10, v7;
	v1 =	vmul.f32 v1, v12;
	v5 =	vpop (erf)  }
0x102: {  	v2 =	vadd.f32 v3, v2;
	v3 =	vmax.f32 v50, $0.0e+00;
	v5 =	vmul.f32 v5, v13  }
0x103: {  	v0 =	vadd.f32 v9, v0;
	v9 =	vmax.f32 v26, v16;
	v1 =	vmul.f32 $5.000000000e-01, v1  }
0x104: {  	v56 =	vmin.f32 v3, v6;
	v3 =	vmax.f32 v48, $0.0e+00;
	v5 =	vmul.f32 $5.000000000e-01, v5  }
0x105: {  	v15 =	vld [tilespmem:s1+$0x1F90];
	v60 =	vmin.f32 v3, v7;
	v36 =	vsub.f32 v56, v26;
	v49 =	vsub.f32 v2, v1  }
0x106: {  	v55 =	vmin.f32 v56, v11;
	v8 =	vmin.f32 v56, v23;
	v47 =	vsub.f32 v0, v5  }
0x107: {  	v10 =	vld [tilespmem:s1+$0x1E10];
	v54 =	vadd.f32 v1, v2;
	v52 =	vadd.f32 v5, v0;
	v0 =	vmax.f32 v49, $0.0e+00  }
0x108: {  	v12 =	vld [tilespmem:s1+$0x1E90];
	v35 =	vsub.f32 v60, v30;
	v13 =	vmin.f32 v0, v6;
	v0 =	vmax.f32 v47, $0.0e+00  }
0x109: {  	v2 =	vld [tilespmem:s1+$0x2000];
	v1 =	vmax.f32 v54, $0.0e+00;
	v14 =	vmin.f32 v0, v7;
	v0 =	vmax.f32 v52, $0.0e+00  }
0x10a: {  	v58 =	vmin.f32 v60, v15;
	v5 =	vld [tilespmem:s1+$0x2010];
	v21 =	vmin.f32 v1, v6;
	v22 =	vmin.f32 v0, v7  }
0x10b: {  	v20 =	vld [tilespmem:s1+$0x1F80];
	v3 =	vsub.f32 v21, v13;
	v0 =	vsel vm0, v18, v19;
	v1 =	vsub.f32 v22, v14  }
0x10c: {  	v57 =	vmax.f32 v26, v10;
	v63 =	vsel vm1, v17, v0;
	v0 =	vmul.f32 v35, v36;
	v17 =	vld [tilespmem:s1+$0x1E80]  }
0x10d: {  	v59 =	vmax.f32 v30, v12;
	v45 =	vmin.f32 v21, v11;
	[tilespmem:$0x1FF80] =	vst v1;
	v1 =	vmul.f32 v1, v3  }
0x10e: {  	v46 =	vmax.f32 v13, v10;
	v53 =	vmax.f32 v14, v12;
	[tilespmem:$0x1FF90] =	vst v3;
	v3 =	vadd.f32 v2, v0  }
0x10f: {  	v51 =	vmin.f32 v22, v15;
	v4 =	vadd.f32 v5, v0;
	v24 =	vadd.f32 v2, v1  }
0x110: {  	v2 =	vmin.f32 v60, v20;
	(erf) = vrcp.f32 v3;
	v5 =	vadd.f32 v5, v1  }
0x111: {  	s26 =	simm.s32 $0x0;
	s29 =	simm.s32 $0x100;
	s30 =	simm.s32 $0x20;
	v3 =	vmax.f32 v30, v17;
	(erf) = vrcp.f32 v24;
	v24 =	vimm.f32 $0.0e+00  }
.LBB2_5:
0x112: {  	s1 =	sand.u32 $0x60, s30;
	s3 =	sand.u32 $0x3C00, s29;
	v6 =	vmin.f32 v21, v23;
	v7 =	vmax.f32 v13, v16;
	(erf) = vrcp.f32 v4  }
0x113: {  	v4 =	vsub.f32 v55, v57;
	v55 =	vsub.f32 v58, v59;
	s1 =	sor.u32 s1, s3;
	(erf) = vrcp.f32 v5  }
0x114: {  	v57 =	vmin.f32 v22, v20;
	v45 =	vsub.f32 v45, v46;
	v46 =	vsub.f32 v51, v53;
	v5 =	vld [tilespmem:s1+$0x1E10]  }
0x115: {  	v8 =	vsub.f32 v8, v9;
	v2 =	vsub.f32 v2, v3;
	v3 =	vmax.f32 v14, v17;
	v51 =	vld [tilespmem:s1+$0x1F10]  }
0x116: {  	v6 =	vsub.f32 v6, v7;
	v3 =	vsub.f32 v57, v3;
	v4 =	vmax.f32 v4, $0.0e+00;
	v9 =	vld [tilespmem:s1+$0x1E90]  }
0x117: {  	v18 =	vmax.f32 v8, $0.0e+00;
	v53 =	vmax.f32 v55, $0.0e+00;
	v45 =	vmax.f32 v45, $0.0e+00;
	v7 =	vld [tilespmem:s1+$0x1F90]  }
0x118: {  	v2 =	vmax.f32 v2, $0.0e+00;
	v6 =	vmax.f32 v6, $0.0e+00;
	v3 =	vmax.f32 v3, $0.0e+00  }
0x119: {  	v2 =	vmul.f32 v2, v18;
	v3 =	vmul.f32 v3, v6;
	v6 =	vmax.f32 v46, $0.0e+00;
	v8 =	vpop (erf)  }
0x11a: {  	v4 =	vmul.f32 v53, v4;
	v6 =	vmul.f32 v6, v45;
	v55 =	vmin.f32 v56, v51;
	v45 =	vpop (erf)  }
0x11b: {  	v57 =	vmax.f32 v26, v5;
	v2 =	vmul.f32 v2, v8;
	v3 =	vmul.f32 v3, v45;
	v8 =	vpop (erf)  }
0x11c: {  	v59 =	vmax.f32 v30, v9;
	v58 =	vmin.f32 v60, v7;
	v4 =	vmul.f32 v4, v8;
	v8 =	vpop (erf)  }
0x11d: {  	vm0 =	vgt.f32 v2, v37;
	vm2 =	vgt.f32 v3, v29;
	v6 =	vmul.f32 v6, v8  }
0x11e: {  	v2 =	vsel vm0, v2, v37;
	v3 =	vsel vm2, v3, v29;
	v8 =	vsel vm2, v20, v27  }
0x11f: {  	v28 =	vsel vm2, v23, v28;
	vm1 =	vgt.f32 v4, v2;
	v18 =	vld [tilespmem:s1+$0x1E00];
	vm3 =	vgt.f32 v6, v3  }
0x120: {  	s26 =	sadd.s32 $0x2, s26;
	v37 =	vsel vm1, v4, v2;
	v19 =	vld [tilespmem:s1+$0x1F00];
	v29 =	vsel vm3, v6, v3;
	v27 =	vsel vm3, v15, v8  }
0x121: {  	p0 =	slt.u32 s26, $0x7E;
	v4 =	vsel vm2, v17, v24;
	v3 =	vsel vm2, v16, v25;
	v28 =	vsel vm3, v11, v28;
	v2 =	vld [tilespmem:s1+$0x2000]  }
0x122: {  	v6 =	vsel vm0, v20, v39;
	v24 =	vsel vm3, v12, v4;
	v25 =	vsel vm3, v10, v3;
	v20 =	vld [tilespmem:s1+$0x1F80]  }
0x123: {  	v4 =	vsel vm0, v23, v44;
	v3 =	vsel vm0, v17, v43;
	v39 =	vsel vm1, v15, v6;
	v15 =	vmovc v7;
	v31 =	vld [tilespmem:s1+$0x2010]  }
0x124: {  	v6 =	vsel vm0, v16, v40;
	v44 =	vsel vm1, v11, v4;
	v11 =	vmovc v51;
	v43 =	vsel vm1, v12, v3;
	v17 =	vld [tilespmem:s1+$0x1E80]  }
.Ltmp1:
0x125: {  	v46 =	vmax.f32 v13, v5;
	v45 =	vmin.f32 v21, v11;
	v40 =	vsel vm1, v10, v6;
	v10 =	vmovc v5;
	(pc) =	sbr.rel @p0 .LBB2_5-.Ltmp1, $4  }
0x126: {  	v53 =	vmax.f32 v14, v9;
	v51 =	vmin.f32 v22, v15;
	v12 =	vmovc v9;
	v3 =	vadd.f32 v2, v0  }
0x127: {  	v9 =	vmax.f32 v26, v18;
	v16 =	vmovc v18;
	v8 =	vmin.f32 v56, v19;
	v6 =	vadd.f32 v2, v1  }
0x128: {  	v23 =	vmovc v19;
	v2 =	vmin.f32 v60, v20;
	v4 =	vadd.f32 v31, v0;
	(erf) = vrcp.f32 v3  }
0x129: {  	s29 =	sadd.s32 $0x100, s29;
	s30 =	sadd.s32 $0x20, s30;
	v5 =	vadd.f32 v31, v1;
	v3 =	vmax.f32 v30, v17;
	(erf) = vrcp.f32 v6  }
0x12a: {  	v0 =	vmin.f32 v50, v62;
	v1 =	vsub.f32 v50, v41  }
0x12b: {  	v6 =	vmax.f32 v41, v63;
	v7 =	vsub.f32 v62, v63;
	v18 =	vmin.f32 v48, v38  }
0x12c: {  	v19 =	vsub.f32 v48, v42;
	v31 =	vmax.f32 v42, v61;
	v48 =	vsub.f32 v38, v61  }
0x12d: {  	v0 =	vsub.f32 v0, v6;
	v6 =	vsub.f32 v18, v31  }
0x12e: {  	v1 =	vmul.f32 v19, v1;
	v7 =	vmul.f32 v48, v7  }
0x12f: {  	v0 =	vmax.f32 v0, $0.0e+00;
	v6 =	vmax.f32 v6, $0.0e+00  }
0x130: {  	v0 =	vmul.f32 v6, v0;
	v1 =	vadd.f32 v1, v7;
	_ =	sdelay $0x1  }
0x131: {  	v1 =	vsub.f32 v1, v0;
	_ =	sdelay $0x1  }
0x132: {  	v6 =	vmul.f32 $1.000000010e-01, v1;
	_ =	sdelay $0x1  }
0x133: {  	(erf) = vrcp.f32 v4;
	v0 =	vadd.f32 v6, v0  }
0x134: {  	(erf) = vrcp.f32 v5  }
0x135: {  	(erf) = vrcp.f32 v0;
	_ =	sdelay $0x3  }
0x136: {  	v5 =	vmin.f32 v54, v32;
	v6 =	vsub.f32 v54, v49;
	v54 =	vld [tilespmem:$0x1FF70]  }
0x137: {  	v0 =	vpop (erf)  }
0x138: {  	v41 =	vpop (erf)  }
0x139: {  	v4 =	vpop (erf)  }
0x13a: {  	v50 =	vsub.f32 v32, v33;
	v60 =	vsub.f32 v52, v47;
	v61 =	vmax.f32 v47, v34;
	v42 =	vpop (erf)  }
0x13b: {  	v7 =	vmax.f32 v49, v33;
	v56 =	vmin.f32 v52, v54;
	v62 =	vsub.f32 v54, v34;
	v63 =	vpop (erf)  }
0x13c: {  	v31 =	vmul.f32 v63, v1;
	v1 =	vsub.f32 v5, v7;
	v5 =	vsub.f32 v56, v61  }
0x13d: {  	v6 =	vmul.f32 v60, v6;
	v7 =	vmul.f32 v62, v50  }
0x13e: {  	v1 =	vmax.f32 v1, $0.0e+00;
	v5 =	vmax.f32 v5, $0.0e+00  }
0x13f: {  	v38 =	vand.u32 $0x7FFFFF, v31;
	v1 =	vmul.f32 v5, v1;
	v5 =	vadd.f32 v6, v7  }
0x140: {  	v6 =	vor.u32 $0x3F800000, v38  }
0x141: {  	v7 =	vmul.f32 $5.000000000e-01, v6;
	v5 =	vsub.f32 v5, v1  }
0x142: {  	vm0 =	vgt.f32 v6, $1.414213540e+00  }
0x143: {  	v33 =	vsel vm0, v7, v6;
	v6 =	vmul.f32 $1.000000010e-01, v5  }
0x144: {  	v7 =	vadd.f32 $1.000000000e+00, v33  }
0x145: {  	v1 =	vadd.f32 v6, v1  }
0x146: {  	(erf) = vrcp.f32 v7  }
0x147: {  	(erf) = vrcp.f32 v1;
	_ =	sdelay $0x7  }
0x148: {  	v47 =	vpop (erf)  }
0x149: {  	v1 =	vpop (erf)  }
0x14a: {  	v32 =	vmul.f32 v1, v5;
	_ =	sdelay $0x1  }
0x14b: {  	v1 =	vand.u32 $0x7FFFFF, v32  }
0x14c: {  	v5 =	vld [tilespmem:s25+$0x300];
	v1 =	vor.u32 $0x3F800000, v1  }
0x14d: {  	v7 =	vld [tilespmem:s25+$0x380];
	v6 =	vmul.f32 $5.000000000e-01, v1  }
0x14e: {  	vm1 =	vgt.f32 v1, $1.414213540e+00  }
0x14f: {  	v48 =	vsel vm1, v6, v1  }
0x150: {  	v1 =	vadd.f32 $1.000000000e+00, v48  }
0x151: {  	v5 =	vmul.f32 $1.442695020e+00, v5  }
0x152: {  	(erf) = vrcp.f32 v1;
	v1 =	vmul.f32 $1.442695020e+00, v7  }
0x153: {  	v2 =	vsub.f32 v2, v3;
	(erf) = vpow2.f32 v5  }
0x154: {  	v3 =	vsub.f32 v58, v59;
	(erf) = vpow2.f32 v1;
	v1 =	vsub.f32 v8, v9  }
0x155: {  	v5 =	vsub.f32 v55, v57  }
0x156: {  	v2 =	vmax.f32 v2, $0.0e+00;
	v3 =	vmax.f32 v3, $0.0e+00;
	v1 =	vmax.f32 v1, $0.0e+00  }
0x157: {  	v6 =	vld [tilespmem:s25+$0x200];
	v5 =	vmax.f32 v5, $0.0e+00;
	v1 =	vmul.f32 v2, v1;
	v2 =	vadd.f32 $1.000000000e+00, v36  }
0x158: {  	v3 =	vmul.f32 v3, v5;
	v5 =	vld [tilespmem:s25+$0x280]  }
0x159: {  	v7 =	vadd.f32 $1.000000000e+00, v35;
	v8 =	vmul.f32 $5.000000000e-01, v2  }
0x15a: {  	v1 =	vmul.f32 v1, v0  }
0x15b: {  	v0 =	vmul.f32 v3, v4;
	v3 =	vmul.f32 $5.000000000e-01, v7  }
0x15c: {  	v6 =	vmul.f32 v6, v2;
	v49 =	vpop (erf);
	vm3 =	vgt.f32 v1, v37;
	v4 =	vadd.f32 v8, v26  }
0x15d: {  	v3 =	vadd.f32 v3, v30;
	v5 =	vmul.f32 v5, v7;
	v1 =	vsel vm3, v1, v37;
	v8 =	vpop (erf)  }
0x15e: {  	v50 =	vsel vm3, v23, v44;
	v52 =	vsel vm3, v16, v40;
	v2 =	vmul.f32 v8, v2;
	v8 =	vpop (erf)  }
0x15f: {  	v4 =	vadd.f32 v6, v4;
	vm2 =	vgt.f32 v0, v1;
	v6 =	vmul.f32 v8, v7  }
0x160: {  	v3 =	vadd.f32 v5, v3;
	v54 =	vsel vm2, v10, v52;
	v2 =	vmul.f32 $5.000000000e-01, v2  }
0x161: {  	v7 =	vsel vm3, v20, v39;
	v8 =	vsel vm3, v17, v43;
	v5 =	vmul.f32 $5.000000000e-01, v6  }
0x162: {  	v6 =	vsel vm2, v12, v8;
	v8 =	vsub.f32 v4, v2;
	v2 =	vadd.f32 v2, v4  }
0x163: {  	v7 =	vsel vm2, v15, v7;
	v4 =	vsel vm2, v11, v50;
	v55 =	vadd.f32 v5, v3  }
0x164: {  	v3 =	vsub.f32 v3, v5;
	v5 =	vmin.f32 v2, v4;
	v2 =	vsub.f32 v2, v8  }
0x165: {  	v8 =	vmax.f32 v8, v54;
	v4 =	vsub.f32 v4, v54;
	v56 =	vmin.f32 v55, v7  }
0x166: {  	v18 =	vsub.f32 v55, v3;
	v3 =	vmax.f32 v3, v6;
	v6 =	vsub.f32 v7, v6  }
0x167: {  	v5 =	vsub.f32 v5, v8;
	v3 =	vsub.f32 v56, v3  }
0x168: {  	v2 =	vmul.f32 v18, v2;
	v4 =	vmul.f32 v6, v4  }
0x169: {  	v5 =	vmax.f32 v5, $0.0e+00;
	v3 =	vmax.f32 v3, $0.0e+00  }
0x16a: {  	v3 =	vmul.f32 v3, v5;
	v2 =	vadd.f32 v2, v4;
	_ =	sdelay $0x1  }
0x16b: {  	v2 =	vsub.f32 v2, v3;
	_ =	sdelay $0x1  }
0x16c: {  	v4 =	vmul.f32 $1.000000010e-01, v2;
	_ =	sdelay $0x1  }
0x16d: {  	v3 =	vadd.f32 v4, v3;
	_ =	sdelay $0x1  }
0x16e: {  	(erf) = vrcp.f32 v3;
	_ =	sdelay $0x8  }
0x16f: {  	v3 =	vpop (erf)  }
0x170: {  	v26 =	vmul.f32 v3, v2;
	_ =	sdelay $0x1  }
0x171: {  	v5 =	vld [tilespmem:s24+$0x380];
	v2 =	vand.u32 $0x7FFFFF, v26  }
0x172: {  	v3 =	vld [tilespmem:s24+$0x300];
	v2 =	vor.u32 $0x3F800000, v2  }
0x173: {  	v4 =	vmul.f32 $5.000000000e-01, v2  }
0x174: {  	v7 =	vmin.f32 v22, v20;
	vm11 =	vgt.f32 v2, $1.414213540e+00  }
0x175: {  	v6 =	vmin.f32 v21, v23;
	v2 =	vsel vm11, v4, v2;
	v4 =	vmax.f32 v13, v16  }
0x176: {  	v8 =	vadd.f32 $1.000000000e+00, v2;
	v4 =	vsub.f32 v6, v4;
	v6 =	vmax.f32 v14, v17  }
0x177: {  	v5 =	vmul.f32 $1.442695020e+00, v5;
	v3 =	vmul.f32 $1.442695020e+00, v3;
	v6 =	vsub.f32 v7, v6  }
0x178: {  	v7 =	vsub.f32 v45, v46;
	(erf) = vrcp.f32 v8;
	v8 =	vsub.f32 v51, v53  }
0x179: {  	(erf) = vpow2.f32 v3;
	v3 =	vmax.f32 v4, $0.0e+00;
	v4 =	vmax.f32 v6, $0.0e+00  }
0x17a: {  	(erf) = vpow2.f32 v5;
	v3 =	vmul.f32 v4, v3;
	v4 =	vmax.f32 v7, $0.0e+00;
	v7 =	vld [tilespmem:$0x1FF90]  }
0x17b: {  	v5 =	vmax.f32 v8, $0.0e+00;
	v8 =	vld [tilespmem:$0x1FF80];
	_ =	sdelay $0x1  }
0x17c: {  	v3 =	vmul.f32 v3, v41  }
0x17d: {  	v4 =	vmul.f32 v5, v4;
	v5 =	vld [tilespmem:s24+$0x200]  }
0x17e: {  	v6 =	vld [tilespmem:s24+$0x280];
	vm5 =	vgt.f32 v3, v29;
	v7 =	vadd.f32 $1.000000000e+00, v7  }
0x17f: {  	v4 =	vmul.f32 v4, v42;
	v3 =	vsel vm5, v3, v29;
	v8 =	vadd.f32 $1.000000000e+00, v8  }
0x180: {  	v57 =	vsel vm5, v20, v27;
	v60 =	vsel vm5, v23, v28;
	v58 =	vpop (erf);
	v59 =	vmul.f32 $5.000000000e-01, v7  }
0x181: {  	v27 =	vsel vm5, v16, v25;
	v28 =	vsel vm5, v17, v24;
	v61 =	vmul.f32 $5.000000000e-01, v8;
	v62 =	vpop (erf)  }
0x182: {  	v5 =	vmul.f32 v5, v7;
	v63 =	vadd.f32 v59, v13;
	v7 =	vmul.f32 v62, v7;
	v22 =	vpop (erf)  }
0x183: {  	v6 =	vmul.f32 v6, v8;
	v23 =	vadd.f32 v61, v14;
	v8 =	vmul.f32 v22, v8  }
0x184: {  	vm4 =	vgt.f32 v4, v3;
	v5 =	vadd.f32 v5, v63;
	v7 =	vmul.f32 $5.000000000e-01, v7  }
0x185: {  	v9 =	vsel vm4, v15, v57;
	v6 =	vadd.f32 v6, v23;
	v8 =	vmul.f32 $5.000000000e-01, v8  }
0x186: {  	v29 =	vsel vm4, v11, v60;
	v30 =	vsub.f32 v5, v7;
	v5 =	vadd.f32 v7, v5  }
0x187: {  	v36 =	vsel vm4, v12, v28;
	v7 =	vsel vm4, v10, v27;
	v37 =	vadd.f32 v8, v6  }
0x188: {  	v6 =	vsub.f32 v6, v8;
	v8 =	vmin.f32 v5, v29;
	v5 =	vsub.f32 v5, v30  }
0x189: {  	v39 =	vmax.f32 v30, v7;
	v7 =	vsub.f32 v29, v7;
	v40 =	vmin.f32 v37, v9  }
0x18a: {  	v12 =	vsub.f32 v37, v6;
	v6 =	vmax.f32 v6, v36;
	v9 =	vsub.f32 v9, v36  }
0x18b: {  	v8 =	vsub.f32 v8, v39;
	v6 =	vsub.f32 v40, v6  }
0x18c: {  	v5 =	vmul.f32 v12, v5;
	v7 =	vmul.f32 v9, v7  }
0x18d: {  	v8 =	vmax.f32 v8, $0.0e+00;
	v6 =	vmax.f32 v6, $0.0e+00  }
0x18e: {  	v6 =	vmul.f32 v6, v8;
	v5 =	vadd.f32 v5, v7;
	_ =	sdelay $0x1  }
0x18f: {  	v5 =	vsub.f32 v5, v6;
	_ =	sdelay $0x1  }
0x190: {  	v7 =	vmul.f32 $1.000000010e-01, v5;
	_ =	sdelay $0x1  }
0x191: {  	v6 =	vadd.f32 v7, v6;
	_ =	sdelay $0x1  }
0x192: {  	(erf) = vrcp.f32 v6;
	_ =	sdelay $0x8  }
0x193: {  	v7 =	vpop (erf)  }
0x194: {  	v6 =	vadd.f32 $-1.000000000e+00, v33;
	v5 =	vmul.f32 v7, v5;
	_ =	sdelay $0x1  }
0x195: {  	v6 =	vmul.f32 v47, v6;
	v7 =	vand.u32 $0x7FFFFF, v5  }
0x196: {  	v7 =	vor.u32 $0x3F800000, v7  }
0x197: {  	v8 =	vmul.f32 v6, v6;
	v41 =	vmul.f32 $5.000000000e-01, v7  }
0x198: {  	vm12 =	vgt.f32 v7, $1.414213540e+00  }
0x199: {  	v42 =	vmul.f32 $1.428571490e-01, v8;
	v7 =	vsel vm12, v41, v7  }
0x19a: {  	v45 =	vadd.f32 $1.000000000e+00, v7  }
0x19b: {  	v44 =	vadd.f32 $2.000000030e-01, v42  }
0x19c: {  	v43 =	vadd.f32 $-1.000000000e+00, v48;
	(erf) = vrcp.f32 v45  }
0x19d: {  	v9 =	vmul.f32 v44, v8  }
0x19e: {  	v0 =	vsel vm2, v0, v1;
	v11 =	vmul.f32 v49, v43  }
0x19f: {  	v49 =	vimm.s32 $0x0;
	v47 =	vshrl.u32 v31, $0x17;
	v9 =	vadd.f32 $3.333333430e-01, v9  }
0x1a0: {  	v50 =	vsel vm0, $0x1, v49;
	v46 =	vmul.f32 v11, v11;
	v12 =	vand.u32 $0xFF, v47  }
0x1a1: {  	v52 =	vshrl.u32 v32, $0x17;
	v1 =	vadd.s32 v50, v12;
	v8 =	vmul.f32 v9, v8  }
0x1a2: {  	v2 =	vadd.f32 $-1.000000000e+00, v2;
	v48 =	vmul.f32 $1.428571490e-01, v46;
	v1 =	vadd.s32 $0xFFFFFF81, v1  }
0x1a3: {  	v6 =	vadd.f32 v6, v6;
	v1 =	vcvt.s32.f32 v1;
	v8 =	vadd.f32 $1.000000000e+00, v8  }
0x1a4: {  	v53 =	vsel vm1, $0x1, v49;
	v51 =	vadd.f32 $2.000000030e-01, v48;
	v7 =	vadd.f32 $-1.000000000e+00, v7  }
0x1a5: {  	v1 =	vmul.f32 $6.931471820e-01, v1;
	v6 =	vmul.f32 v8, v6;
	v8 =	vand.u32 $0xFF, v52;
	v54 =	vpop (erf)  }
0x1a6: {  	v2 =	vmul.f32 v58, v2;
	v8 =	vadd.s32 v53, v8;
	v7 =	vmul.f32 v54, v7  }
0x1a7: {  	v9 =	vmul.f32 v51, v46;
	v8 =	vadd.s32 $0xFFFFFF81, v8;
	v1 =	vadd.f32 v6, v1;
	v6 =	vld [tilespmem:$0x1FF60]  }
0x1a8: {  	v3 =	vsel vm4, v4, v3;
	v4 =	vcvt.s32.f32 v8;
	v8 =	vmul.f32 v7, v7  }
0x1a9: {  	v55 =	vmul.f32 v2, v2;
	v9 =	vadd.f32 $3.333333430e-01, v9  }
0x1aa: {  	v58 =	vmul.f32 $1.428571490e-01, v8  }
0x1ab: {  	v56 =	vmul.f32 $1.428571490e-01, v55;
	v9 =	vmul.f32 v9, v46  }
0x1ac: {  	v11 =	vadd.f32 v11, v11;
	vm14 =	vgt.f32 v6, $2.307692320e-01;
	v6 =	vadd.f32 $2.000000030e-01, v58  }
0x1ad: {  	v59 =	vadd.f32 $2.000000030e-01, v56;
	v9 =	vadd.f32 $1.000000000e+00, v9  }
0x1ae: {  	v6 =	vmul.f32 v6, v8  }
0x1af: {  	v9 =	vmul.f32 v9, v11;
	v11 =	vmul.f32 v59, v55  }
0x1b0: {  	vm2 =	vgt.f32 v0, $3.333333430e-01;
	v4 =	vmul.f32 $6.931471820e-01, v4;
	v6 =	vadd.f32 $3.333333430e-01, v6  }
0x1b1: {  	v60 =	vshrl.u32 v26, $0x17;
	v61 =	vsel vm11, $0x1, v49;
	v62 =	vadd.f32 $3.333333430e-01, v11  }
0x1b2: {  	v4 =	vadd.f32 v9, v4;
	v9 =	vand.u32 $0xFF, v60;
	v6 =	vmul.f32 v6, v8  }
0x1b3: {  	v57 =	vld [tilespmem:$0x1FF50];
	v2 =	vadd.f32 v2, v2;
	v0 =	vadd.s32 v61, v9;
	v9 =	vmul.f32 v62, v55  }
0x1b4: {  	v0 =	vadd.s32 $0xFFFFFF81, v0;
	v7 =	vadd.f32 v7, v7;
	v6 =	vadd.f32 $1.000000000e+00, v6  }
0x1b5: {  	v5 =	vshrl.u32 v5, $0x17;
	v0 =	vcvt.s32.f32 v0;
	v8 =	vadd.f32 $1.000000000e+00, v9  }
0x1b6: {  	v5 =	vand.u32 $0xFF, v5;
	v63 =	vsel vm12, $0x1, v49;
	v6 =	vmul.f32 v6, v7;
	v7 =	vld [tilespmem:$0x1FFA0]  }
0x1b7: {  	v5 =	vadd.s32 v63, v5;
	v0 =	vmul.f32 $6.931471820e-01, v0;
	v2 =	vmul.f32 v8, v2  }
0x1b8: {  	vm13 =	vgt.f32 v57, $2.307692320e-01;
	v5 =	vadd.s32 $0xFFFFFF81, v5  }
0x1b9: {  	v5 =	vcvt.s32.f32 v5;
	v0 =	vadd.f32 v2, v0;
	v2 =	vnsel vm14, $0x0, v4;
	v4 =	vld [tilespmem:$0x1FFC0]  }
0x1ba: {  	v1 =	vnsel vm13, $0x0, v1  }
0x1bb: {  	v5 =	vmul.f32 $6.931471820e-01, v5;
	v1 =	vadd.f32 v1, v7  }
0x1bc: {  	vm15 =	vgt.f32 v3, $3.333333430e-01  }
0x1bd: {  	v3 =	vadd.f32 v6, v5;
	v0 =	vnsel vm2, $0x0, v0;
	v6 =	vadd.f32 v2, v1;
	v2 =	vld [tilespmem:$0x1FFB0]  }
0x1be: {  	v0 =	vadd.f32 v0, v4;
	v4 =	vld [tilespmem:$0x1FFD0]  }
0x1bf: {  	s23 =	sadd.s32 $0x1, s23  }
0x1c0: {  	p0 =	sne.s32 s23, $0x14;
	v5 =	vimm.f32 $0.0e+00  }
.Ltmp2:
0x1c1: {  	v1 =	vsel vm13, $0x3F800000, v5;
	(pc) =	sbr.rel @p0 .LBB2_2-.Ltmp2, $4  }
0x1c2: {  	v1 =	vadd.f32 v1, v2;
	v2 =	vsel vm2, $0x3F800000, v5  }
0x1c3: {  	v2 =	vadd.f32 v2, v4;
	v4 =	vsel vm14, $0x3F800000, v5  }
0x1c4: {  	v3 =	vnsel vm15, $0x0, v3;
	v4 =	vadd.f32 v4, v1;
	v1 =	vsel vm15, $0x3F800000, v5  }
0x1c5: {  	v0 =	vadd.f32 v3, v0;
	v1 =	vadd.f32 v1, v2  }
0x1c6: {  	[tilespmem:$0x5F00] =	vst v6  }
0x1c7: {  	[tilespmem:$0x5F80] =	vst v4;
	s0 =	sadd.s32 $0x1, s0  }
0x1c8: {  	[tilespmem:$0x6000] =	vst v0;
	p0 =	sne.s32 s0, s18  }
.Ltmp3:
0x1c9: {  	s1 =	simm.s32 $0x5F00;
	[tilespmem:$0x6080] =	vst v1;
	(pc) =	sbr.rel @p0 .LBB2_1-.Ltmp3, $4  }
0x1ca: {  	[hbm4b:s17+s2] =	stream.linear.scatter [tilespmem:s1], [sflag:$0x1], $0x200, $0x38;
	[tilespmem:$0x6100] =	vst v63  }
0x1cb: {  	_ =	swait.ge [sflag:s28], $0x200  }
0x1cc: {  	[sflag:s28] =	ssyncset.done $0x0  }
0x1cd: {  	[sflag:s28] =	ssyncadd.s32 $0xFFFFFE00  }
0x1ce: {  	_ =	sfence.sel $0x180000  }
0x1cf: {  	[bflag:$0x0] =	sbarrier.arrive $0xFFFF  }
0x1d0: {  	_ =	strace $0x90000047  }
0x1d1: {  	s0 =	stileid.u32;
	[bflag:$0x2] =	sbarrier.arrive $0xFFFF  }
0x1d2: {  	p0 =	sne.s32 s0, $0x0;
	s0 =	rddreg [dreg:$0x1]  }
0x1d3: {  	s0 =	sadd.s32 @!p0 $0x100000, s0  }
0x1d4: {  	[sflag:s0] =	ssyncadd.tile.s32 @!p0 $0x1;
	_ =	shalt  }
.Lfunc_end2:
_tile_overlayer_lowered:
.L_overlay_start_2:
0x1d5: {  	(tag) =	ssettag $0x2  }
0x1d6: {  	s0 =	rddreg [dreg:$0x0];
	s2 =	stileid.u32  }
0x1d7: {  	s1 =	rddreg [dreg:$0x1];
	p0 =	sne.s32 s2, $0x0  }
0x1d8: {  	s3 =	rddreg [dreg:$0x2];
	[bflag:$0x3] =	sbarrier.arrive $0xFFFF;
	s2 =	simm.s32 @!p0 $0x1C01  }
0x1d9: {  	[timem:s3], [sflag:s2] =	dma.local @!p0 [hbm:s0], s1  }
0x1da: {  	s0 =	simm.s32 @!p0 $0x1  }
0x1db: {  	_ =	swait.ge @!p0 [sflag:s0], s1  }
0x1dc: {  	s1 =	ssub.s32 @!p0 $0x0, s1;
	[sflag:s0] =	ssyncset.done @!p0 $0x0  }
0x1dd: {  	[sflag:s0] =	ssyncadd.s32 @!p0 s1  }
0x1de: {  	[bflag:$0x3] =	sbarrier.arrive $0xFFFF  }
0x1df: {  	_ =	shalt  }

</sc_bundles>
